<compile_context>
chip_gen: v7x
topology: tpu7x:2x2x1
jax: 0.10.2.dev20260603
libtpu: 0.0.44.dev20260713+nightly
codegen_flags: <defaults>
</compile_context>

<pallas_src>
import functools

import jax
import jax.numpy as jnp
from jax import lax
from jax.experimental import pallas as pl
from jax.experimental.pallas import tpu as pltpu
from jax.experimental.pallas import tpu_sc as plsc

NUM_EMBEDDINGS = 1024
EMBEDDING_DIM = 256
SAMPLE_TOKENS = 8
CODE_DIM = 32
COMMITMENT_COST = 0.25

BLOCK_T = 1024

_SC_INFO = plsc.get_sparse_core_info()
_NC, _NS, _L = _SC_INFO.num_cores, _SC_INFO.num_subcores, _SC_INFO.num_lanes
_NW = _NC * _NS


def _tc_body(x_ref, wt2_ref, wsq_ref, colf_ref, idx_ref, sq_ref, acc_ref,
             *, n_blocks):
    step = pl.program_id(0)
    wt2 = wt2_ref[...]
    wsq = wsq_ref[...]
    colf = colf_ref[...]

    blk_sq = None
    idx_cols = []
    for s in range(SAMPLE_TOKENS):
        xs = x_ref[:, s * CODE_DIM:(s + 1) * CODE_DIM]
        scores2 = jnp.dot(xs, wt2, preferred_element_type=jnp.float32)
        xsq = jnp.sum(xs * xs, axis=1, keepdims=True)
        dist = (xsq + wsq) - scores2
        dmin = jnp.min(dist, axis=1, keepdims=True)
        idxf = jnp.min(jnp.where(dist == dmin, colf, float(NUM_EMBEDDINGS)),
                       axis=1, keepdims=True)
        idx_cols.append(idxf.astype(jnp.int32))
        sq_s = jnp.sum(dmin)
        blk_sq = sq_s if blk_sq is None else blk_sq + sq_s

    idx_ref[...] = jnp.concatenate(idx_cols, axis=1)

    @pl.when(step == 0)
    def _init():
        acc_ref[0, 0] = blk_sq

    @pl.when(step > 0)
    def _acc():
        acc_ref[0, 0] += blk_sq

    @pl.when(step == n_blocks - 1)
    def _finalize():
        sq_ref[...] = jnp.reshape(acc_ref[0, 0], (1, 1))


def _make_sc_kernel(n_rows):
    bpw = n_rows // _NW
    mesh = plsc.VectorSubcoreMesh(core_axis_name="c", subcore_axis_name="s")

    @functools.partial(
        pl.kernel, mesh=mesh,
        out_type=[
            jax.ShapeDtypeStruct((n_rows, CODE_DIM), jnp.float32),
            jax.ShapeDtypeStruct((_NC, NUM_EMBEDDINGS), jnp.float32),
        ],
        scratch_types=[
            pltpu.VMEM((bpw,), jnp.int32),
            pltpu.VMEM((bpw, CODE_DIM), jnp.float32),
            pltpu.VMEM((bpw,), jnp.float32),
            pltpu.VMEM((NUM_EMBEDDINGS,), jnp.float32),
            pltpu.VMEM_SHARED((NUM_EMBEDDINGS,), jnp.float32),
            pltpu.SemaphoreType.DMA,
        ],
        compiler_params=pltpu.CompilerParams(use_tc_tiling_on_sc=False),
    )
    def sc_gather_hist(table_hbm, idx_hbm, out_hbm, cnt_hbm, idx_v, rows_v,
                       ones_v, bounce_v, cnt_sh, sem):
        cid = lax.axis_index("c")
        sid = lax.axis_index("s")
        wid = sid * _NC + cid
        base = wid * bpw
        pltpu.sync_copy(idx_hbm.at[pl.ds(base, bpw)], idx_v)
        pltpu.async_copy(table_hbm.at[idx_v], rows_v, sem).wait()
        pltpu.sync_copy(rows_v, out_hbm.at[pl.ds(base, bpw)])

        zero = jnp.zeros((_L,), jnp.float32)
        one = jnp.ones((_L,), jnp.float32)
        for i in range(bpw // _L):
            ones_v[pl.ds(i * _L, _L)] = one

        @pl.when(sid == 0)
        def _init():
            for i in range(NUM_EMBEDDINGS // _L):
                bounce_v[pl.ds(i * _L, _L)] = zero
            pltpu.sync_copy(bounce_v, cnt_sh)

        plsc.subcore_barrier()
        pltpu.sync_copy(ones_v, cnt_sh.at[idx_v], add=True)
        plsc.subcore_barrier()

        @pl.when(sid == 0)
        def _emit():
            pltpu.sync_copy(cnt_sh, bounce_v)
            pltpu.sync_copy(bounce_v, cnt_hbm.at[cid])

    return sc_gather_hist


def _perp_body(cnt_ref, perp_ref, *, n_rows):
    c = cnt_ref[...]
    probs = jnp.sum(c, axis=0, keepdims=True) / n_rows
    ent = jnp.sum(probs * jnp.log(probs + 1e-10), axis=1, keepdims=True)
    perp_ref[...] = jnp.exp(-ent)


def kernel(inputs, W):
    input_shape = inputs.shape
    x2 = inputs.reshape(-1, EMBEDDING_DIM)
    n_tok = x2.shape[0]
    n_rows = n_tok * SAMPLE_TOKENS

    HALVES = 1
    tok_h = n_tok // HALVES
    rows_h = n_rows // HALVES
    n_blocks = tok_h // BLOCK_T

    wt2 = 2.0 * W.T
    wsq = jnp.sum(W ** 2, axis=1)[None, :]
    colf = jnp.arange(NUM_EMBEDDINGS, dtype=jnp.float32)[None, :]
    table = W.astype(jnp.bfloat16).astype(jnp.float32)

    sc_call = _make_sc_kernel(rows_h)

    def tc_call(h):
        off = h * (tok_h // BLOCK_T)
        return pl.pallas_call(
            functools.partial(_tc_body, n_blocks=n_blocks),
            grid=(n_blocks,),
            in_specs=[
                pl.BlockSpec((BLOCK_T, EMBEDDING_DIM), lambda i: (i + off, 0)),
                pl.BlockSpec((CODE_DIM, NUM_EMBEDDINGS), lambda i: (0, 0)),
                pl.BlockSpec((1, NUM_EMBEDDINGS), lambda i: (0, 0)),
                pl.BlockSpec((1, NUM_EMBEDDINGS), lambda i: (0, 0)),
            ],
            out_specs=[
                pl.BlockSpec((BLOCK_T, SAMPLE_TOKENS), lambda i: (i, 0)),
                pl.BlockSpec((1, 1), lambda i: (0, 0)),
            ],
            out_shape=[
                jax.ShapeDtypeStruct((tok_h, SAMPLE_TOKENS), jnp.int32),
                jax.ShapeDtypeStruct((1, 1), jnp.float32),
            ],
            scratch_shapes=[
                pltpu.SMEM((1, 1), jnp.float32),
            ],
        )(x2, wt2, wsq, colf)

    qs, cnts, sq_total = [], [], None
    for h in range(HALVES):
        idx_h, sq_h = tc_call(h)
        q_h, cnt_h = sc_call(table, idx_h.reshape(-1))
        qs.append(q_h)
        cnts.append(cnt_h)
        sq_total = sq_h if sq_total is None else sq_total + sq_h

    loss = ((1.0 + COMMITMENT_COST) / (n_rows * CODE_DIM)) * sq_total[0, 0]

    cnt = jnp.concatenate(cnts, axis=0)
    perp = pl.pallas_call(
        functools.partial(_perp_body, n_rows=n_rows),
        in_specs=[pl.BlockSpec((HALVES * _NC, NUM_EMBEDDINGS),
                               lambda: (0, 0))],
        out_specs=pl.BlockSpec((1, 1), lambda: (0, 0)),
        out_shape=jax.ShapeDtypeStruct((1, 1), jnp.float32),
    )(cnt)

    q = jnp.concatenate(qs, axis=0)
    return (q.reshape(input_shape), loss, perp[0, 0])

# --- scband reference (transcript-rebuilt; emitter-appended) ---
"""Pipeline reference for scband-vector-quantizer-5085241279051 (READ-ONLY COPY).

The authoritative reference and input builder live on the scoring server;
editing this copy changes nothing except your own understanding.
"""

import jax, jax.numpy as jnp
import numpy as np

NUM_EMBEDDINGS = 1024
EMBEDDING_DIM = 256
SAMPLE_TOKENS = 8
CODE_DIM = EMBEDDING_DIM // SAMPLE_TOKENS  # 32
COMMITMENT_COST = 0.25


def setup_inputs(seed: int = 0) -> dict:
    key = jax.random.key(seed)
    k1, k2 = jax.random.split(key)
    inputs = jax.random.normal(k1, (8, 1024, 256), dtype=jnp.float32)
    # nn.Embedding weight initialized uniform(-1/K, 1/K)
    W = jax.random.uniform(k2, (NUM_EMBEDDINGS, CODE_DIM), dtype=jnp.float32,
                           minval=-1.0 / NUM_EMBEDDINGS, maxval=1.0 / NUM_EMBEDDINGS)
    return {"inputs": inputs, "W": W}


def reference(inputs, W):
    input_shape = inputs.shape
    flat_input = inputs.reshape(-1, CODE_DIM)
    distances = (jnp.sum(flat_input ** 2, axis=1, keepdims=True)
                 + jnp.sum(W ** 2, axis=1)
                 - 2.0 * jnp.matmul(flat_input, W.T))
    encoding_indices = jnp.argmin(distances, axis=1)
    N = flat_input.shape[0]
    encodings = jnp.zeros((N, NUM_EMBEDDINGS), dtype=jnp.float32).at[
        jnp.arange(N), encoding_indices].set(1.0)
    quantized = jnp.matmul(encodings, W).reshape(input_shape)
    e_latent_loss = jnp.mean((jax.lax.stop_gradient(quantized) - inputs) ** 2)
    q_latent_loss = jnp.mean((quantized - jax.lax.stop_gradient(inputs)) ** 2)
    loss = q_latent_loss + COMMITMENT_COST * e_latent_loss
    quantized_st = inputs + jax.lax.stop_gradient(quantized - inputs)
    avg_probs = jnp.mean(encodings, axis=0)
    perplexity = jnp.exp(-jnp.sum(avg_probs * jnp.log(avg_probs + 1e-10)))
    return (quantized_st, loss, perplexity)

if __name__ == "__main__":
    import jax
    _d = setup_inputs()
    print(jax.jit(kernel)(*tuple(_d.values())))

</pallas_src>

<mosaic_0001>
#map = affine_map<(d0, d1) -> (0, 0)>
#map1 = affine_map<(d0, d1) -> (0)>
module attributes {stable_mosaic.version = 14 : i64} {
  func.func @sc_gather_hist(%arg0: i32, %arg1: i32, %arg2: memref<1024x32xf32, #tpu.memory_space<hbm>>, %arg3: memref<65536xi32, #tpu.memory_space<hbm>>, %arg4: memref<65536x32xf32, #tpu.memory_space<hbm>>, %arg5: memref<2x1024xf32, #tpu.memory_space<hbm>>, %arg6: memref<2048xi32, #tpu.memory_space<vmem>>, %arg7: memref<2048x32xf32, #tpu.memory_space<vmem>>, %arg8: memref<2048xf32, #tpu.memory_space<vmem>>, %arg9: memref<1024xf32, #tpu.memory_space<vmem>>, %arg10: memref<1024xf32, #tpu.memory_space<vmem_shared>>, %arg11: memref<!tpu.dma_semaphore, #tpu.memory_space<semaphore_mem>>) attributes {dimension_semantics = [#tpu.dimension_semantics<core_parallel>, #tpu.dimension_semantics<subcore_parallel>], iteration_bounds = array<i64: 2, 16>, scalar_prefetch = 0 : i64, scratch_operands = 6 : i64, tpu.core_type = #tpu.core_type<sc_vector_subcore>, window_params = [{transform_indices = #map}, {transform_indices = #map1}, {transform_indices = #map}, {transform_indices = #map}]} {
    %mul3A = arith.constant 2 : i32
    %mul3A_0 = arith.muli %arg1, %mul3A : i32
    %add3A = arith.addi %mul3A_0, %arg0 : i32
    %mul3A_1 = arith.constant 2048 : i32
    %mul3A_2 = arith.muli %add3A, %mul3A_1 : i32
    "tpu.region"() ({
      %run_scoped3A = tpu.sem_alloc : memref<!tpu.dma_semaphore, #tpu.memory_space<semaphore_mem>>
      %dma_start3A_529 = tpu.memref_slice %arg3[%mul3A_2] : memref<65536xi32, #tpu.memory_space<hbm>> -> memref<2048xi32, #tpu.memory_space<hbm>>
      %dma_start3A_530 = tpu.memref_slice %arg3[%mul3A_2] : memref<65536xi32, #tpu.memory_space<hbm>> -> memref<2048xi32, #tpu.memory_space<hbm>>
      tpu.enqueue_dma source(%dma_start3A_530 : memref<2048xi32, #tpu.memory_space<hbm>>) target(%arg6 : memref<2048xi32, #tpu.memory_space<vmem>>) target_semaphore(%run_scoped3A : memref<!tpu.dma_semaphore, #tpu.memory_space<semaphore_mem>>)
      %dma_wait3A_531 = tpu.memref_slice %arg3[%mul3A_2] : memref<65536xi32, #tpu.memory_space<hbm>> -> memref<2048xi32, #tpu.memory_space<hbm>>
      %dma_wait3A_532 = tpu.memref_slice %arg3[%mul3A_2] : memref<65536xi32, #tpu.memory_space<hbm>> -> memref<2048xi32, #tpu.memory_space<hbm>>
      tpu.wait_dma2 semaphore(%run_scoped3A : memref<!tpu.dma_semaphore, #tpu.memory_space<semaphore_mem>>) src(%dma_wait3A_532 : memref<2048xi32, #tpu.memory_space<hbm>>) dst(%arg6 : memref<2048xi32, #tpu.memory_space<vmem>>)
      tpu.yield
    }) : () -> ()
    %dma_start3A = arith.constant 0 : i32
    %dma_start3A_3 = arith.constant 0 : i32
    %dma_start3A_4 = tpu.memref_slice %arg2[%dma_start3A, %dma_start3A_3] : memref<1024x32xf32, #tpu.memory_space<hbm>> -> memref<1024x32xf32, #tpu.memory_space<hbm>>
    tpu.enqueue_indirect_dma source(%dma_start3A_4 : memref<1024x32xf32, #tpu.memory_space<hbm>>) target(%arg7 : memref<2048x32xf32, #tpu.memory_space<vmem>>) offsets(%arg6 : memref<2048xi32, #tpu.memory_space<vmem>>) semaphore(%arg11 : memref<!tpu.dma_semaphore, #tpu.memory_space<semaphore_mem>>)
    %dma_wait3A = arith.constant 0 : i32
    %dma_wait3A_5 = arith.constant 0 : i32
    %dma_wait3A_6 = tpu.memref_slice %arg2[%dma_wait3A, %dma_wait3A_5] : memref<1024x32xf32, #tpu.memory_space<hbm>> -> memref<1024x32xf32, #tpu.memory_space<hbm>>
    tpu.wait_indirect_dma semaphore(%arg11 : memref<!tpu.dma_semaphore, #tpu.memory_space<semaphore_mem>>) src(%dma_wait3A_6 : memref<1024x32xf32, #tpu.memory_space<hbm>>) dst(%arg7 : memref<2048x32xf32, #tpu.memory_space<vmem>>)
    "tpu.region"() ({
      %run_scoped3A = tpu.sem_alloc : memref<!tpu.dma_semaphore, #tpu.memory_space<semaphore_mem>>
      %dma_start3A_529 = arith.constant 0 : i32
      %dma_start3A_530 = tpu.memref_slice %arg4[%mul3A_2, %dma_start3A_529] : memref<65536x32xf32, #tpu.memory_space<hbm>> -> memref<2048x32xf32, #tpu.memory_space<hbm>>
      %dma_start3A_531 = arith.constant 0 : i32
      %dma_start3A_532 = tpu.memref_slice %arg4[%mul3A_2, %dma_start3A_531] : memref<65536x32xf32, #tpu.memory_space<hbm>> -> memref<2048x32xf32, #tpu.memory_space<hbm>>
      tpu.enqueue_dma source(%arg7 : memref<2048x32xf32, #tpu.memory_space<vmem>>) target(%dma_start3A_532 : memref<2048x32xf32, #tpu.memory_space<hbm>>) target_semaphore(%run_scoped3A : memref<!tpu.dma_semaphore, #tpu.memory_space<semaphore_mem>>)
      %dma_wait3A_533 = arith.constant 0 : i32
      %dma_wait3A_534 = tpu.memref_slice %arg4[%mul3A_2, %dma_wait3A_533] : memref<65536x32xf32, #tpu.memory_space<hbm>> -> memref<2048x32xf32, #tpu.memory_space<hbm>>
      %dma_wait3A_535 = arith.constant 0 : i32
      %dma_wait3A_536 = tpu.memref_slice %arg4[%mul3A_2, %dma_wait3A_535] : memref<65536x32xf32, #tpu.memory_space<hbm>> -> memref<2048x32xf32, #tpu.memory_space<hbm>>
      tpu.wait_dma2 semaphore(%run_scoped3A : memref<!tpu.dma_semaphore, #tpu.memory_space<semaphore_mem>>) src(%arg7 : memref<2048x32xf32, #tpu.memory_space<vmem>>) dst(%dma_wait3A_536 : memref<2048x32xf32, #tpu.memory_space<hbm>>)
      tpu.yield
    }) : () -> ()
    %broadcast_in_dim3A = arith.constant 0.000000e+00 : f32
    %broadcast_in_dim3A_7 = vector.broadcast %broadcast_in_dim3A : f32 to vector<16xf32>
    %broadcast_in_dim3A_8 = arith.constant 1.000000e+00 : f32
    %broadcast_in_dim3A_9 = vector.broadcast %broadcast_in_dim3A_8 : f32 to vector<16xf32>
    %swap3A = arith.constant 0 : index
    %swap3A_10 = tpu.vector_load %arg8[%swap3A] {strides = array<i32>} : memref<2048xf32, #tpu.memory_space<vmem>>, vector<16xf32>,
    %swap3A_11 = vector.shape_cast %swap3A_10 : vector<16xf32> to vector<16xf32>
    %swap3A_12 = vector.shape_cast %broadcast_in_dim3A_9 : vector<16xf32> to vector<16xf32>
    tpu.vector_store %arg8[%swap3A], %swap3A_12 {strides = array<i32>} : memref<2048xf32, #tpu.memory_space<vmem>>, vector<16xf32>,
    %swap3A_13 = arith.constant 16 : index
    %swap3A_14 = tpu.vector_load %arg8[%swap3A_13] {strides = array<i32>} : memref<2048xf32, #tpu.memory_space<vmem>>, vector<16xf32>,
    %swap3A_15 = vector.shape_cast %swap3A_14 : vector<16xf32> to vector<16xf32>
    %swap3A_16 = vector.shape_cast %broadcast_in_dim3A_9 : vector<16xf32> to vector<16xf32>
    tpu.vector_store %arg8[%swap3A_13], %swap3A_16 {strides = array<i32>} : memref<2048xf32, #tpu.memory_space<vmem>>, vector<16xf32>,
    %swap3A_17 = arith.constant 32 : index
    %swap3A_18 = tpu.vector_load %arg8[%swap3A_17] {strides = array<i32>} : memref<2048xf32, #tpu.memory_space<vmem>>, vector<16xf32>,
    %swap3A_19 = vector.shape_cast %swap3A_18 : vector<16xf32> to vector<16xf32>
    %swap3A_20 = vector.shape_cast %broadcast_in_dim3A_9 : vector<16xf32> to vector<16xf32>
    tpu.vector_store %arg8[%swap3A_17], %swap3A_20 {strides = array<i32>} : memref<2048xf32, #tpu.memory_space<vmem>>, vector<16xf32>,
    %swap3A_21 = arith.constant 48 : index
    %swap3A_22 = tpu.vector_load %arg8[%swap3A_21] {strides = array<i32>} : memref<2048xf32, #tpu.memory_space<vmem>>, vector<16xf32>,
    %swap3A_23 = vector.shape_cast %swap3A_22 : vector<16xf32> to vector<16xf32>
    %swap3A_24 = vector.shape_cast %broadcast_in_dim3A_9 : vector<16xf32> to vector<16xf32>
    tpu.vector_store %arg8[%swap3A_21], %swap3A_24 {strides = array<i32>} : memref<2048xf32, #tpu.memory_space<vmem>>, vector<16xf32>,
    %swap3A_25 = arith.constant 64 : index
    %swap3A_26 = tpu.vector_load %arg8[%swap3A_25] {strides = array<i32>} : memref<2048xf32, #tpu.memory_space<vmem>>, vector<16xf32>,
    %swap3A_27 = vector.shape_cast %swap3A_26 : vector<16xf32> to vector<16xf32>
    %swap3A_28 = vector.shape_cast %broadcast_in_dim3A_9 : vector<16xf32> to vector<16xf32>
    tpu.vector_store %arg8[%swap3A_25], %swap3A_28 {strides = array<i32>} : memref<2048xf32, #tpu.memory_space<vmem>>, vector<16xf32>,
    %swap3A_29 = arith.constant 80 : index
    %swap3A_30 = tpu.vector_load %arg8[%swap3A_29] {strides = array<i32>} : memref<2048xf32, #tpu.memory_space<vmem>>, vector<16xf32>,
    %swap3A_31 = vector.shape_cast %swap3A_30 : vector<16xf32> to vector<16xf32>
    %swap3A_32 = vector.shape_cast %broadcast_in_dim3A_9 : vector<16xf32> to vector<16xf32>
    tpu.vector_store %arg8[%swap3A_29], %swap3A_32 {strides = array<i32>} : memref<2048xf32, #tpu.memory_space<vmem>>, vector<16xf32>,
    %swap3A_33 = arith.constant 96 : index
    %swap3A_34 = tpu.vector_load %arg8[%swap3A_33] {strides = array<i32>} : memref<2048xf32, #tpu.memory_space<vmem>>, vector<16xf32>,
    %swap3A_35 = vector.shape_cast %swap3A_34 : vector<16xf32> to vector<16xf32>
    %swap3A_36 = vector.shape_cast %broadcast_in_dim3A_9 : vector<16xf32> to vector<16xf32>
    tpu.vector_store %arg8[%swap3A_33], %swap3A_36 {strides = array<i32>} : memref<2048xf32, #tpu.memory_space<vmem>>, vector<16xf32>,
    %swap3A_37 = arith.constant 112 : index
    %swap3A_38 = tpu.vector_load %arg8[%swap3A_37] {strides = array<i32>} : memref<2048xf32, #tpu.memory_space<vmem>>, vector<16xf32>,
    %swap3A_39 = vector.shape_cast %swap3A_38 : vector<16xf32> to vector<16xf32>
    %swap3A_40 = vector.shape_cast %broadcast_in_dim3A_9 : vector<16xf32> to vector<16xf32>
    tpu.vector_store %arg8[%swap3A_37], %swap3A_40 {strides = array<i32>} : memref<2048xf32, #tpu.memory_space<vmem>>, vector<16xf32>,
    %swap3A_41 = arith.constant 128 : index
    %swap3A_42 = tpu.vector_load %arg8[%swap3A_41] {strides = array<i32>} : memref<2048xf32, #tpu.memory_space<vmem>>, vector<16xf32>,
    %swap3A_43 = vector.shape_cast %swap3A_42 : vector<16xf32> to vector<16xf32>
    %swap3A_44 = vector.shape_cast %broadcast_in_dim3A_9 : vector<16xf32> to vector<16xf32>
    tpu.vector_store %arg8[%swap3A_41], %swap3A_44 {strides = array<i32>} : memref<2048xf32, #tpu.memory_space<vmem>>, vector<16xf32>,
    %swap3A_45 = arith.constant 144 : index
    %swap3A_46 = tpu.vector_load %arg8[%swap3A_45] {strides = array<i32>} : memref<2048xf32, #tpu.memory_space<vmem>>, vector<16xf32>,
    %swap3A_47 = vector.shape_cast %swap3A_46 : vector<16xf32> to vector<16xf32>
    %swap3A_48 = vector.shape_cast %broadcast_in_dim3A_9 : vector<16xf32> to vector<16xf32>
    tpu.vector_store %arg8[%swap3A_45], %swap3A_48 {strides = array<i32>} : memref<2048xf32, #tpu.memory_space<vmem>>, vector<16xf32>,
    %swap3A_49 = arith.constant 160 : index
    %swap3A_50 = tpu.vector_load %arg8[%swap3A_49] {strides = array<i32>} : memref<2048xf32, #tpu.memory_space<vmem>>, vector<16xf32>,
    %swap3A_51 = vector.shape_cast %swap3A_50 : vector<16xf32> to vector<16xf32>
    %swap3A_52 = vector.shape_cast %broadcast_in_dim3A_9 : vector<16xf32> to vector<16xf32>
    tpu.vector_store %arg8[%swap3A_49], %swap3A_52 {strides = array<i32>} : memref<2048xf32, #tpu.memory_space<vmem>>, vector<16xf32>,
    %swap3A_53 = arith.constant 176 : index
    %swap3A_54 = tpu.vector_load %arg8[%swap3A_53] {strides = array<i32>} : memref<2048xf32, #tpu.memory_space<vmem>>, vector<16xf32>,
    %swap3A_55 = vector.shape_cast %swap3A_54 : vector<16xf32> to vector<16xf32>
    %swap3A_56 = vector.shape_cast %broadcast_in_dim3A_9 : vector<16xf32> to vector<16xf32>
    tpu.vector_store %arg8[%swap3A_53], %swap3A_56 {strides = array<i32>} : memref<2048xf32, #tpu.memory_space<vmem>>, vector<16xf32>,
    %swap3A_57 = arith.constant 192 : index
    %swap3A_58 = tpu.vector_load %arg8[%swap3A_57] {strides = array<i32>} : memref<2048xf32, #tpu.memory_space<vmem>>, vector<16xf32>,
    %swap3A_59 = vector.shape_cast %swap3A_58 : vector<16xf32> to vector<16xf32>
    %swap3A_60 = vector.shape_cast %broadcast_in_dim3A_9 : vector<16xf32> to vector<16xf32>
    tpu.vector_store %arg8[%swap3A_57], %swap3A_60 {strides = array<i32>} : memref<2048xf32, #tpu.memory_space<vmem>>, vector<16xf32>,
    %swap3A_61 = arith.constant 208 : index
    %swap3A_62 = tpu.vector_load %arg8[%swap3A_61] {strides = array<i32>} : memref<2048xf32, #tpu.memory_space<vmem>>, vector<16xf32>,
    %swap3A_63 = vector.shape_cast %swap3A_62 : vector<16xf32> to vector<16xf32>
    %swap3A_64 = vector.shape_cast %broadcast_in_dim3A_9 : vector<16xf32> to vector<16xf32>
    tpu.vector_store %arg8[%swap3A_61], %swap3A_64 {strides = array<i32>} : memref<2048xf32, #tpu.memory_space<vmem>>, vector<16xf32>,
    %swap3A_65 = arith.constant 224 : index
    %swap3A_66 = tpu.vector_load %arg8[%swap3A_65] {strides = array<i32>} : memref<2048xf32, #tpu.memory_space<vmem>>, vector<16xf32>,
    %swap3A_67 = vector.shape_cast %swap3A_66 : vector<16xf32> to vector<16xf32>
    %swap3A_68 = vector.shape_cast %broadcast_in_dim3A_9 : vector<16xf32> to vector<16xf32>
    tpu.vector_store %arg8[%swap3A_65], %swap3A_68 {strides = array<i32>} : memref<2048xf32, #tpu.memory_space<vmem>>, vector<16xf32>,
    %swap3A_69 = arith.constant 240 : index
    %swap3A_70 = tpu.vector_load %arg8[%swap3A_69] {strides = array<i32>} : memref<2048xf32, #tpu.memory_space<vmem>>, vector<16xf32>,
    %swap3A_71 = vector.shape_cast %swap3A_70 : vector<16xf32> to vector<16xf32>
    %swap3A_72 = vector.shape_cast %broadcast_in_dim3A_9 : vector<16xf32> to vector<16xf32>
    tpu.vector_store %arg8[%swap3A_69], %swap3A_72 {strides = array<i32>} : memref<2048xf32, #tpu.memory_space<vmem>>, vector<16xf32>,
    %swap3A_73 = arith.constant 256 : index
    %swap3A_74 = tpu.vector_load %arg8[%swap3A_73] {strides = array<i32>} : memref<2048xf32, #tpu.memory_space<vmem>>, vector<16xf32>,
    %swap3A_75 = vector.shape_cast %swap3A_74 : vector<16xf32> to vector<16xf32>
    %swap3A_76 = vector.shape_cast %broadcast_in_dim3A_9 : vector<16xf32> to vector<16xf32>
    tpu.vector_store %arg8[%swap3A_73], %swap3A_76 {strides = array<i32>} : memref<2048xf32, #tpu.memory_space<vmem>>, vector<16xf32>,
    %swap3A_77 = arith.constant 272 : index
    %swap3A_78 = tpu.vector_load %arg8[%swap3A_77] {strides = array<i32>} : memref<2048xf32, #tpu.memory_space<vmem>>, vector<16xf32>,
    %swap3A_79 = vector.shape_cast %swap3A_78 : vector<16xf32> to vector<16xf32>
    %swap3A_80 = vector.shape_cast %broadcast_in_dim3A_9 : vector<16xf32> to vector<16xf32>
    tpu.vector_store %arg8[%swap3A_77], %swap3A_80 {strides = array<i32>} : memref<2048xf32, #tpu.memory_space<vmem>>, vector<16xf32>,
    %swap3A_81 = arith.constant 288 : index
    %swap3A_82 = tpu.vector_load %arg8[%swap3A_81] {strides = array<i32>} : memref<2048xf32, #tpu.memory_space<vmem>>, vector<16xf32>,
    %swap3A_83 = vector.shape_cast %swap3A_82 : vector<16xf32> to vector<16xf32>
    %swap3A_84 = vector.shape_cast %broadcast_in_dim3A_9 : vector<16xf32> to vector<16xf32>
    tpu.vector_store %arg8[%swap3A_81], %swap3A_84 {strides = array<i32>} : memref<2048xf32, #tpu.memory_space<vmem>>, vector<16xf32>,
    %swap3A_85 = arith.constant 304 : index
    %swap3A_86 = tpu.vector_load %arg8[%swap3A_85] {strides = array<i32>} : memref<2048xf32, #tpu.memory_space<vmem>>, vector<16xf32>,
    %swap3A_87 = vector.shape_cast %swap3A_86 : vector<16xf32> to vector<16xf32>
    %swap3A_88 = vector.shape_cast %broadcast_in_dim3A_9 : vector<16xf32> to vector<16xf32>
    tpu.vector_store %arg8[%swap3A_85], %swap3A_88 {strides = array<i32>} : memref<2048xf32, #tpu.memory_space<vmem>>, vector<16xf32>,
    %swap3A_89 = arith.constant 320 : index
    %swap3A_90 = tpu.vector_load %arg8[%swap3A_89] {strides = array<i32>} : memref<2048xf32, #tpu.memory_space<vmem>>, vector<16xf32>,
    %swap3A_91 = vector.shape_cast %swap3A_90 : vector<16xf32> to vector<16xf32>
    %swap3A_92 = vector.shape_cast %broadcast_in_dim3A_9 : vector<16xf32> to vector<16xf32>
    tpu.vector_store %arg8[%swap3A_89], %swap3A_92 {strides = array<i32>} : memref<2048xf32, #tpu.memory_space<vmem>>, vector<16xf32>,
    %swap3A_93 = arith.constant 336 : index
    %swap3A_94 = tpu.vector_load %arg8[%swap3A_93] {strides = array<i32>} : memref<2048xf32, #tpu.memory_space<vmem>>, vector<16xf32>,
    %swap3A_95 = vector.shape_cast %swap3A_94 : vector<16xf32> to vector<16xf32>
    %swap3A_96 = vector.shape_cast %broadcast_in_dim3A_9 : vector<16xf32> to vector<16xf32>
    tpu.vector_store %arg8[%swap3A_93], %swap3A_96 {strides = array<i32>} : memref<2048xf32, #tpu.memory_space<vmem>>, vector<16xf32>,
    %swap3A_97 = arith.constant 352 : index
    %swap3A_98 = tpu.vector_load %arg8[%swap3A_97] {strides = array<i32>} : memref<2048xf32, #tpu.memory_space<vmem>>, vector<16xf32>,
    %swap3A_99 = vector.shape_cast %swap3A_98 : vector<16xf32> to vector<16xf32>
    %swap3A_100 = vector.shape_cast %broadcast_in_dim3A_9 : vector<16xf32> to vector<16xf32>
    tpu.vector_store %arg8[%swap3A_97], %swap3A_100 {strides = array<i32>} : memref<2048xf32, #tpu.memory_space<vmem>>, vector<16xf32>,
    %swap3A_101 = arith.constant 368 : index
    %swap3A_102 = tpu.vector_load %arg8[%swap3A_101] {strides = array<i32>} : memref<2048xf32, #tpu.memory_space<vmem>>, vector<16xf32>,
    %swap3A_103 = vector.shape_cast %swap3A_102 : vector<16xf32> to vector<16xf32>
    %swap3A_104 = vector.shape_cast %broadcast_in_dim3A_9 : vector<16xf32> to vector<16xf32>
    tpu.vector_store %arg8[%swap3A_101], %swap3A_104 {strides = array<i32>} : memref<2048xf32, #tpu.memory_space<vmem>>, vector<16xf32>,
    %swap3A_105 = arith.constant 384 : index
    %swap3A_106 = tpu.vector_load %arg8[%swap3A_105] {strides = array<i32>} : memref<2048xf32, #tpu.memory_space<vmem>>, vector<16xf32>,
    %swap3A_107 = vector.shape_cast %swap3A_106 : vector<16xf32> to vector<16xf32>
    %swap3A_108 = vector.shape_cast %broadcast_in_dim3A_9 : vector<16xf32> to vector<16xf32>
    tpu.vector_store %arg8[%swap3A_105], %swap3A_108 {strides = array<i32>} : memref<2048xf32, #tpu.memory_space<vmem>>, vector<16xf32>,
    %swap3A_109 = arith.constant 400 : index
    %swap3A_110 = tpu.vector_load %arg8[%swap3A_109] {strides = array<i32>} : memref<2048xf32, #tpu.memory_space<vmem>>, vector<16xf32>,
    %swap3A_111 = vector.shape_cast %swap3A_110 : vector<16xf32> to vector<16xf32>
    %swap3A_112 = vector.shape_cast %broadcast_in_dim3A_9 : vector<16xf32> to vector<16xf32>
    tpu.vector_store %arg8[%swap3A_109], %swap3A_112 {strides = array<i32>} : memref<2048xf32, #tpu.memory_space<vmem>>, vector<16xf32>,
    %swap3A_113 = arith.constant 416 : index
    %swap3A_114 = tpu.vector_load %arg8[%swap3A_113] {strides = array<i32>} : memref<2048xf32, #tpu.memory_space<vmem>>, vector<16xf32>,
    %swap3A_115 = vector.shape_cast %swap3A_114 : vector<16xf32> to vector<16xf32>
    %swap3A_116 = vector.shape_cast %broadcast_in_dim3A_9 : vector<16xf32> to vector<16xf32>
    tpu.vector_store %arg8[%swap3A_113], %swap3A_116 {strides = array<i32>} : memref<2048xf32, #tpu.memory_space<vmem>>, vector<16xf32>,
    %swap3A_117 = arith.constant 432 : index
    %swap3A_118 = tpu.vector_load %arg8[%swap3A_117] {strides = array<i32>} : memref<2048xf32, #tpu.memory_space<vmem>>, vector<16xf32>,
    %swap3A_119 = vector.shape_cast %swap3A_118 : vector<16xf32> to vector<16xf32>
    %swap3A_120 = vector.shape_cast %broadcast_in_dim3A_9 : vector<16xf32> to vector<16xf32>
    tpu.vector_store %arg8[%swap3A_117], %swap3A_120 {strides = array<i32>} : memref<2048xf32, #tpu.memory_space<vmem>>, vector<16xf32>,
    %swap3A_121 = arith.constant 448 : index
    %swap3A_122 = tpu.vector_load %arg8[%swap3A_121] {strides = array<i32>} : memref<2048xf32, #tpu.memory_space<vmem>>, vector<16xf32>,
    %swap3A_123 = vector.shape_cast %swap3A_122 : vector<16xf32> to vector<16xf32>
    %swap3A_124 = vector.shape_cast %broadcast_in_dim3A_9 : vector<16xf32> to vector<16xf32>
    tpu.vector_store %arg8[%swap3A_121], %swap3A_124 {strides = array<i32>} : memref<2048xf32, #tpu.memory_space<vmem>>, vector<16xf32>,
    %swap3A_125 = arith.constant 464 : index
    %swap3A_126 = tpu.vector_load %arg8[%swap3A_125] {strides = array<i32>} : memref<2048xf32, #tpu.memory_space<vmem>>, vector<16xf32>,
    %swap3A_127 = vector.shape_cast %swap3A_126 : vector<16xf32> to vector<16xf32>
    %swap3A_128 = vector.shape_cast %broadcast_in_dim3A_9 : vector<16xf32> to vector<16xf32>
    tpu.vector_store %arg8[%swap3A_125], %swap3A_128 {strides = array<i32>} : memref<2048xf32, #tpu.memory_space<vmem>>, vector<16xf32>,
    %swap3A_129 = arith.constant 480 : index
    %swap3A_130 = tpu.vector_load %arg8[%swap3A_129] {strides = array<i32>} : memref<2048xf32, #tpu.memory_space<vmem>>, vector<16xf32>,
    %swap3A_131 = vector.shape_cast %swap3A_130 : vector<16xf32> to vector<16xf32>
    %swap3A_132 = vector.shape_cast %broadcast_in_dim3A_9 : vector<16xf32> to vector<16xf32>
    tpu.vector_store %arg8[%swap3A_129], %swap3A_132 {strides = array<i32>} : memref<2048xf32, #tpu.memory_space<vmem>>, vector<16xf32>,
    %swap3A_133 = arith.constant 496 : index
    %swap3A_134 = tpu.vector_load %arg8[%swap3A_133] {strides = array<i32>} : memref<2048xf32, #tpu.memory_space<vmem>>, vector<16xf32>,
    %swap3A_135 = vector.shape_cast %swap3A_134 : vector<16xf32> to vector<16xf32>
    %swap3A_136 = vector.shape_cast %broadcast_in_dim3A_9 : vector<16xf32> to vector<16xf32>
    tpu.vector_store %arg8[%swap3A_133], %swap3A_136 {strides = array<i32>} : memref<2048xf32, #tpu.memory_space<vmem>>, vector<16xf32>,
    %swap3A_137 = arith.constant 512 : index
    %swap3A_138 = tpu.vector_load %arg8[%swap3A_137] {strides = array<i32>} : memref<2048xf32, #tpu.memory_space<vmem>>, vector<16xf32>,
    %swap3A_139 = vector.shape_cast %swap3A_138 : vector<16xf32> to vector<16xf32>
    %swap3A_140 = vector.shape_cast %broadcast_in_dim3A_9 : vector<16xf32> to vector<16xf32>
    tpu.vector_store %arg8[%swap3A_137], %swap3A_140 {strides = array<i32>} : memref<2048xf32, #tpu.memory_space<vmem>>, vector<16xf32>,
    %swap3A_141 = arith.constant 528 : index
    %swap3A_142 = tpu.vector_load %arg8[%swap3A_141] {strides = array<i32>} : memref<2048xf32, #tpu.memory_space<vmem>>, vector<16xf32>,
    %swap3A_143 = vector.shape_cast %swap3A_142 : vector<16xf32> to vector<16xf32>
    %swap3A_144 = vector.shape_cast %broadcast_in_dim3A_9 : vector<16xf32> to vector<16xf32>
    tpu.vector_store %arg8[%swap3A_141], %swap3A_144 {strides = array<i32>} : memref<2048xf32, #tpu.memory_space<vmem>>, vector<16xf32>,
    %swap3A_145 = arith.constant 544 : index
    %swap3A_146 = tpu.vector_load %arg8[%swap3A_145] {strides = array<i32>} : memref<2048xf32, #tpu.memory_space<vmem>>, vector<16xf32>,
    %swap3A_147 = vector.shape_cast %swap3A_146 : vector<16xf32> to vector<16xf32>
    %swap3A_148 = vector.shape_cast %broadcast_in_dim3A_9 : vector<16xf32> to vector<16xf32>
    tpu.vector_store %arg8[%swap3A_145], %swap3A_148 {strides = array<i32>} : memref<2048xf32, #tpu.memory_space<vmem>>, vector<16xf32>,
    %swap3A_149 = arith.constant 560 : index
    %swap3A_150 = tpu.vector_load %arg8[%swap3A_149] {strides = array<i32>} : memref<2048xf32, #tpu.memory_space<vmem>>, vector<16xf32>,
    %swap3A_151 = vector.shape_cast %swap3A_150 : vector<16xf32> to vector<16xf32>
    %swap3A_152 = vector.shape_cast %broadcast_in_dim3A_9 : vector<16xf32> to vector<16xf32>
    tpu.vector_store %arg8[%swap3A_149], %swap3A_152 {strides = array<i32>} : memref<2048xf32, #tpu.memory_space<vmem>>, vector<16xf32>,
    %swap3A_153 = arith.constant 576 : index
    %swap3A_154 = tpu.vector_load %arg8[%swap3A_153] {strides = array<i32>} : memref<2048xf32, #tpu.memory_space<vmem>>, vector<16xf32>,
    %swap3A_155 = vector.shape_cast %swap3A_154 : vector<16xf32> to vector<16xf32>
    %swap3A_156 = vector.shape_cast %broadcast_in_dim3A_9 : vector<16xf32> to vector<16xf32>
    tpu.vector_store %arg8[%swap3A_153], %swap3A_156 {strides = array<i32>} : memref<2048xf32, #tpu.memory_space<vmem>>, vector<16xf32>,
    %swap3A_157 = arith.constant 592 : index
    %swap3A_158 = tpu.vector_load %arg8[%swap3A_157] {strides = array<i32>} : memref<2048xf32, #tpu.memory_space<vmem>>, vector<16xf32>,
    %swap3A_159 = vector.shape_cast %swap3A_158 : vector<16xf32> to vector<16xf32>
    %swap3A_160 = vector.shape_cast %broadcast_in_dim3A_9 : vector<16xf32> to vector<16xf32>
    tpu.vector_store %arg8[%swap3A_157], %swap3A_160 {strides = array<i32>} : memref<2048xf32, #tpu.memory_space<vmem>>, vector<16xf32>,
    %swap3A_161 = arith.constant 608 : index
    %swap3A_162 = tpu.vector_load %arg8[%swap3A_161] {strides = array<i32>} : memref<2048xf32, #tpu.memory_space<vmem>>, vector<16xf32>,
    %swap3A_163 = vector.shape_cast %swap3A_162 : vector<16xf32> to vector<16xf32>
    %swap3A_164 = vector.shape_cast %broadcast_in_dim3A_9 : vector<16xf32> to vector<16xf32>
    tpu.vector_store %arg8[%swap3A_161], %swap3A_164 {strides = array<i32>} : memref<2048xf32, #tpu.memory_space<vmem>>, vector<16xf32>,
    %swap3A_165 = arith.constant 624 : index
    %swap3A_166 = tpu.vector_load %arg8[%swap3A_165] {strides = array<i32>} : memref<2048xf32, #tpu.memory_space<vmem>>, vector<16xf32>,
    %swap3A_167 = vector.shape_cast %swap3A_166 : vector<16xf32> to vector<16xf32>
    %swap3A_168 = vector.shape_cast %broadcast_in_dim3A_9 : vector<16xf32> to vector<16xf32>
    tpu.vector_store %arg8[%swap3A_165], %swap3A_168 {strides = array<i32>} : memref<2048xf32, #tpu.memory_space<vmem>>, vector<16xf32>,
    %swap3A_169 = arith.constant 640 : index
    %swap3A_170 = tpu.vector_load %arg8[%swap3A_169] {strides = array<i32>} : memref<2048xf32, #tpu.memory_space<vmem>>, vector<16xf32>,
    %swap3A_171 = vector.shape_cast %swap3A_170 : vector<16xf32> to vector<16xf32>
    %swap3A_172 = vector.shape_cast %broadcast_in_dim3A_9 : vector<16xf32> to vector<16xf32>
    tpu.vector_store %arg8[%swap3A_169], %swap3A_172 {strides = array<i32>} : memref<2048xf32, #tpu.memory_space<vmem>>, vector<16xf32>,
    %swap3A_173 = arith.constant 656 : index
    %swap3A_174 = tpu.vector_load %arg8[%swap3A_173] {strides = array<i32>} : memref<2048xf32, #tpu.memory_space<vmem>>, vector<16xf32>,
    %swap3A_175 = vector.shape_cast %swap3A_174 : vector<16xf32> to vector<16xf32>
    %swap3A_176 = vector.shape_cast %broadcast_in_dim3A_9 : vector<16xf32> to vector<16xf32>
    tpu.vector_store %arg8[%swap3A_173], %swap3A_176 {strides = array<i32>} : memref<2048xf32, #tpu.memory_space<vmem>>, vector<16xf32>,
    %swap3A_177 = arith.constant 672 : index
    %swap3A_178 = tpu.vector_load %arg8[%swap3A_177] {strides = array<i32>} : memref<2048xf32, #tpu.memory_space<vmem>>, vector<16xf32>,
    %swap3A_179 = vector.shape_cast %swap3A_178 : vector<16xf32> to vector<16xf32>
    %swap3A_180 = vector.shape_cast %broadcast_in_dim3A_9 : vector<16xf32> to vector<16xf32>
    tpu.vector_store %arg8[%swap3A_177], %swap3A_180 {strides = array<i32>} : memref<2048xf32, #tpu.memory_space<vmem>>, vector<16xf32>,
    %swap3A_181 = arith.constant 688 : index
    %swap3A_182 = tpu.vector_load %arg8[%swap3A_181] {strides = array<i32>} : memref<2048xf32, #tpu.memory_space<vmem>>, vector<16xf32>,
    %swap3A_183 = vector.shape_cast %swap3A_182 : vector<16xf32> to vector<16xf32>
    %swap3A_184 = vector.shape_cast %broadcast_in_dim3A_9 : vector<16xf32> to vector<16xf32>
    tpu.vector_store %arg8[%swap3A_181], %swap3A_184 {strides = array<i32>} : memref<2048xf32, #tpu.memory_space<vmem>>, vector<16xf32>,
    %swap3A_185 = arith.constant 704 : index
    %swap3A_186 = tpu.vector_load %arg8[%swap3A_185] {strides = array<i32>} : memref<2048xf32, #tpu.memory_space<vmem>>, vector<16xf32>,
    %swap3A_187 = vector.shape_cast %swap3A_186 : vector<16xf32> to vector<16xf32>
    %swap3A_188 = vector.shape_cast %broadcast_in_dim3A_9 : vector<16xf32> to vector<16xf32>
    tpu.vector_store %arg8[%swap3A_185], %swap3A_188 {strides = array<i32>} : memref<2048xf32, #tpu.memory_space<vmem>>, vector<16xf32>,
    %swap3A_189 = arith.constant 720 : index
    %swap3A_190 = tpu.vector_load %arg8[%swap3A_189] {strides = array<i32>} : memref<2048xf32, #tpu.memory_space<vmem>>, vector<16xf32>,
    %swap3A_191 = vector.shape_cast %swap3A_190 : vector<16xf32> to vector<16xf32>
    %swap3A_192 = vector.shape_cast %broadcast_in_dim3A_9 : vector<16xf32> to vector<16xf32>
    tpu.vector_store %arg8[%swap3A_189], %swap3A_192 {strides = array<i32>} : memref<2048xf32, #tpu.memory_space<vmem>>, vector<16xf32>,
    %swap3A_193 = arith.constant 736 : index
    %swap3A_194 = tpu.vector_load %arg8[%swap3A_193] {strides = array<i32>} : memref<2048xf32, #tpu.memory_space<vmem>>, vector<16xf32>,
    %swap3A_195 = vector.shape_cast %swap3A_194 : vector<16xf32> to vector<16xf32>
    %swap3A_196 = vector.shape_cast %broadcast_in_dim3A_9 : vector<16xf32> to vector<16xf32>
    tpu.vector_store %arg8[%swap3A_193], %swap3A_196 {strides = array<i32>} : memref<2048xf32, #tpu.memory_space<vmem>>, vector<16xf32>,
    %swap3A_197 = arith.constant 752 : index
    %swap3A_198 = tpu.vector_load %arg8[%swap3A_197] {strides = array<i32>} : memref<2048xf32, #tpu.memory_space<vmem>>, vector<16xf32>,
    %swap3A_199 = vector.shape_cast %swap3A_198 : vector<16xf32> to vector<16xf32>
    %swap3A_200 = vector.shape_cast %broadcast_in_dim3A_9 : vector<16xf32> to vector<16xf32>
    tpu.vector_store %arg8[%swap3A_197], %swap3A_200 {strides = array<i32>} : memref<2048xf32, #tpu.memory_space<vmem>>, vector<16xf32>,
    %swap3A_201 = arith.constant 768 : index
    %swap3A_202 = tpu.vector_load %arg8[%swap3A_201] {strides = array<i32>} : memref<2048xf32, #tpu.memory_space<vmem>>, vector<16xf32>,
    %swap3A_203 = vector.shape_cast %swap3A_202 : vector<16xf32> to vector<16xf32>
    %swap3A_204 = vector.shape_cast %broadcast_in_dim3A_9 : vector<16xf32> to vector<16xf32>
    tpu.vector_store %arg8[%swap3A_201], %swap3A_204 {strides = array<i32>} : memref<2048xf32, #tpu.memory_space<vmem>>, vector<16xf32>,
    %swap3A_205 = arith.constant 784 : index
    %swap3A_206 = tpu.vector_load %arg8[%swap3A_205] {strides = array<i32>} : memref<2048xf32, #tpu.memory_space<vmem>>, vector<16xf32>,
    %swap3A_207 = vector.shape_cast %swap3A_206 : vector<16xf32> to vector<16xf32>
    %swap3A_208 = vector.shape_cast %broadcast_in_dim3A_9 : vector<16xf32> to vector<16xf32>
    tpu.vector_store %arg8[%swap3A_205], %swap3A_208 {strides = array<i32>} : memref<2048xf32, #tpu.memory_space<vmem>>, vector<16xf32>,
    %swap3A_209 = arith.constant 800 : index
    %swap3A_210 = tpu.vector_load %arg8[%swap3A_209] {strides = array<i32>} : memref<2048xf32, #tpu.memory_space<vmem>>, vector<16xf32>,
    %swap3A_211 = vector.shape_cast %swap3A_210 : vector<16xf32> to vector<16xf32>
    %swap3A_212 = vector.shape_cast %broadcast_in_dim3A_9 : vector<16xf32> to vector<16xf32>
    tpu.vector_store %arg8[%swap3A_209], %swap3A_212 {strides = array<i32>} : memref<2048xf32, #tpu.memory_space<vmem>>, vector<16xf32>,
    %swap3A_213 = arith.constant 816 : index
    %swap3A_214 = tpu.vector_load %arg8[%swap3A_213] {strides = array<i32>} : memref<2048xf32, #tpu.memory_space<vmem>>, vector<16xf32>,
    %swap3A_215 = vector.shape_cast %swap3A_214 : vector<16xf32> to vector<16xf32>
    %swap3A_216 = vector.shape_cast %broadcast_in_dim3A_9 : vector<16xf32> to vector<16xf32>
    tpu.vector_store %arg8[%swap3A_213], %swap3A_216 {strides = array<i32>} : memref<2048xf32, #tpu.memory_space<vmem>>, vector<16xf32>,
    %swap3A_217 = arith.constant 832 : index
    %swap3A_218 = tpu.vector_load %arg8[%swap3A_217] {strides = array<i32>} : memref<2048xf32, #tpu.memory_space<vmem>>, vector<16xf32>,
    %swap3A_219 = vector.shape_cast %swap3A_218 : vector<16xf32> to vector<16xf32>
    %swap3A_220 = vector.shape_cast %broadcast_in_dim3A_9 : vector<16xf32> to vector<16xf32>
    tpu.vector_store %arg8[%swap3A_217], %swap3A_220 {strides = array<i32>} : memref<2048xf32, #tpu.memory_space<vmem>>, vector<16xf32>,
    %swap3A_221 = arith.constant 848 : index
    %swap3A_222 = tpu.vector_load %arg8[%swap3A_221] {strides = array<i32>} : memref<2048xf32, #tpu.memory_space<vmem>>, vector<16xf32>,
    %swap3A_223 = vector.shape_cast %swap3A_222 : vector<16xf32> to vector<16xf32>
    %swap3A_224 = vector.shape_cast %broadcast_in_dim3A_9 : vector<16xf32> to vector<16xf32>
    tpu.vector_store %arg8[%swap3A_221], %swap3A_224 {strides = array<i32>} : memref<2048xf32, #tpu.memory_space<vmem>>, vector<16xf32>,
    %swap3A_225 = arith.constant 864 : index
    %swap3A_226 = tpu.vector_load %arg8[%swap3A_225] {strides = array<i32>} : memref<2048xf32, #tpu.memory_space<vmem>>, vector<16xf32>,
    %swap3A_227 = vector.shape_cast %swap3A_226 : vector<16xf32> to vector<16xf32>
    %swap3A_228 = vector.shape_cast %broadcast_in_dim3A_9 : vector<16xf32> to vector<16xf32>
    tpu.vector_store %arg8[%swap3A_225], %swap3A_228 {strides = array<i32>} : memref<2048xf32, #tpu.memory_space<vmem>>, vector<16xf32>,
    %swap3A_229 = arith.constant 880 : index
    %swap3A_230 = tpu.vector_load %arg8[%swap3A_229] {strides = array<i32>} : memref<2048xf32, #tpu.memory_space<vmem>>, vector<16xf32>,
    %swap3A_231 = vector.shape_cast %swap3A_230 : vector<16xf32> to vector<16xf32>
    %swap3A_232 = vector.shape_cast %broadcast_in_dim3A_9 : vector<16xf32> to vector<16xf32>
    tpu.vector_store %arg8[%swap3A_229], %swap3A_232 {strides = array<i32>} : memref<2048xf32, #tpu.memory_space<vmem>>, vector<16xf32>,
    %swap3A_233 = arith.constant 896 : index
    %swap3A_234 = tpu.vector_load %arg8[%swap3A_233] {strides = array<i32>} : memref<2048xf32, #tpu.memory_space<vmem>>, vector<16xf32>,
    %swap3A_235 = vector.shape_cast %swap3A_234 : vector<16xf32> to vector<16xf32>
    %swap3A_236 = vector.shape_cast %broadcast_in_dim3A_9 : vector<16xf32> to vector<16xf32>
    tpu.vector_store %arg8[%swap3A_233], %swap3A_236 {strides = array<i32>} : memref<2048xf32, #tpu.memory_space<vmem>>, vector<16xf32>,
    %swap3A_237 = arith.constant 912 : index
    %swap3A_238 = tpu.vector_load %arg8[%swap3A_237] {strides = array<i32>} : memref<2048xf32, #tpu.memory_space<vmem>>, vector<16xf32>,
    %swap3A_239 = vector.shape_cast %swap3A_238 : vector<16xf32> to vector<16xf32>
    %swap3A_240 = vector.shape_cast %broadcast_in_dim3A_9 : vector<16xf32> to vector<16xf32>
    tpu.vector_store %arg8[%swap3A_237], %swap3A_240 {strides = array<i32>} : memref<2048xf32, #tpu.memory_space<vmem>>, vector<16xf32>,
    %swap3A_241 = arith.constant 928 : index
    %swap3A_242 = tpu.vector_load %arg8[%swap3A_241] {strides = array<i32>} : memref<2048xf32, #tpu.memory_space<vmem>>, vector<16xf32>,
    %swap3A_243 = vector.shape_cast %swap3A_242 : vector<16xf32> to vector<16xf32>
    %swap3A_244 = vector.shape_cast %broadcast_in_dim3A_9 : vector<16xf32> to vector<16xf32>
    tpu.vector_store %arg8[%swap3A_241], %swap3A_244 {strides = array<i32>} : memref<2048xf32, #tpu.memory_space<vmem>>, vector<16xf32>,
    %swap3A_245 = arith.constant 944 : index
    %swap3A_246 = tpu.vector_load %arg8[%swap3A_245] {strides = array<i32>} : memref<2048xf32, #tpu.memory_space<vmem>>, vector<16xf32>,
    %swap3A_247 = vector.shape_cast %swap3A_246 : vector<16xf32> to vector<16xf32>
    %swap3A_248 = vector.shape_cast %broadcast_in_dim3A_9 : vector<16xf32> to vector<16xf32>
    tpu.vector_store %arg8[%swap3A_245], %swap3A_248 {strides = array<i32>} : memref<2048xf32, #tpu.memory_space<vmem>>, vector<16xf32>,
    %swap3A_249 = arith.constant 960 : index
    %swap3A_250 = tpu.vector_load %arg8[%swap3A_249] {strides = array<i32>} : memref<2048xf32, #tpu.memory_space<vmem>>, vector<16xf32>,
    %swap3A_251 = vector.shape_cast %swap3A_250 : vector<16xf32> to vector<16xf32>
    %swap3A_252 = vector.shape_cast %broadcast_in_dim3A_9 : vector<16xf32> to vector<16xf32>
    tpu.vector_store %arg8[%swap3A_249], %swap3A_252 {strides = array<i32>} : memref<2048xf32, #tpu.memory_space<vmem>>, vector<16xf32>,
    %swap3A_253 = arith.constant 976 : index
    %swap3A_254 = tpu.vector_load %arg8[%swap3A_253] {strides = array<i32>} : memref<2048xf32, #tpu.memory_space<vmem>>, vector<16xf32>,
    %swap3A_255 = vector.shape_cast %swap3A_254 : vector<16xf32> to vector<16xf32>
    %swap3A_256 = vector.shape_cast %broadcast_in_dim3A_9 : vector<16xf32> to vector<16xf32>
    tpu.vector_store %arg8[%swap3A_253], %swap3A_256 {strides = array<i32>} : memref<2048xf32, #tpu.memory_space<vmem>>, vector<16xf32>,
    %swap3A_257 = arith.constant 992 : index
    %swap3A_258 = tpu.vector_load %arg8[%swap3A_257] {strides = array<i32>} : memref<2048xf32, #tpu.memory_space<vmem>>, vector<16xf32>,
    %swap3A_259 = vector.shape_cast %swap3A_258 : vector<16xf32> to vector<16xf32>
    %swap3A_260 = vector.shape_cast %broadcast_in_dim3A_9 : vector<16xf32> to vector<16xf32>
    tpu.vector_store %arg8[%swap3A_257], %swap3A_260 {strides = array<i32>} : memref<2048xf32, #tpu.memory_space<vmem>>, vector<16xf32>,
    %swap3A_261 = arith.constant 1008 : index
    %swap3A_262 = tpu.vector_load %arg8[%swap3A_261] {strides = array<i32>} : memref<2048xf32, #tpu.memory_space<vmem>>, vector<16xf32>,
    %swap3A_263 = vector.shape_cast %swap3A_262 : vector<16xf32> to vector<16xf32>
    %swap3A_264 = vector.shape_cast %broadcast_in_dim3A_9 : vector<16xf32> to vector<16xf32>
    tpu.vector_store %arg8[%swap3A_261], %swap3A_264 {strides = array<i32>} : memref<2048xf32, #tpu.memory_space<vmem>>, vector<16xf32>,
    %swap3A_265 = arith.constant 1024 : index
    %swap3A_266 = tpu.vector_load %arg8[%swap3A_265] {strides = array<i32>} : memref<2048xf32, #tpu.memory_space<vmem>>, vector<16xf32>,
    %swap3A_267 = vector.shape_cast %swap3A_266 : vector<16xf32> to vector<16xf32>
    %swap3A_268 = vector.shape_cast %broadcast_in_dim3A_9 : vector<16xf32> to vector<16xf32>
    tpu.vector_store %arg8[%swap3A_265], %swap3A_268 {strides = array<i32>} : memref<2048xf32, #tpu.memory_space<vmem>>, vector<16xf32>,
    %swap3A_269 = arith.constant 1040 : index
    %swap3A_270 = tpu.vector_load %arg8[%swap3A_269] {strides = array<i32>} : memref<2048xf32, #tpu.memory_space<vmem>>, vector<16xf32>,
    %swap3A_271 = vector.shape_cast %swap3A_270 : vector<16xf32> to vector<16xf32>
    %swap3A_272 = vector.shape_cast %broadcast_in_dim3A_9 : vector<16xf32> to vector<16xf32>
    tpu.vector_store %arg8[%swap3A_269], %swap3A_272 {strides = array<i32>} : memref<2048xf32, #tpu.memory_space<vmem>>, vector<16xf32>,
    %swap3A_273 = arith.constant 1056 : index
    %swap3A_274 = tpu.vector_load %arg8[%swap3A_273] {strides = array<i32>} : memref<2048xf32, #tpu.memory_space<vmem>>, vector<16xf32>,
    %swap3A_275 = vector.shape_cast %swap3A_274 : vector<16xf32> to vector<16xf32>
    %swap3A_276 = vector.shape_cast %broadcast_in_dim3A_9 : vector<16xf32> to vector<16xf32>
    tpu.vector_store %arg8[%swap3A_273], %swap3A_276 {strides = array<i32>} : memref<2048xf32, #tpu.memory_space<vmem>>, vector<16xf32>,
    %swap3A_277 = arith.constant 1072 : index
    %swap3A_278 = tpu.vector_load %arg8[%swap3A_277] {strides = array<i32>} : memref<2048xf32, #tpu.memory_space<vmem>>, vector<16xf32>,
    %swap3A_279 = vector.shape_cast %swap3A_278 : vector<16xf32> to vector<16xf32>
    %swap3A_280 = vector.shape_cast %broadcast_in_dim3A_9 : vector<16xf32> to vector<16xf32>
    tpu.vector_store %arg8[%swap3A_277], %swap3A_280 {strides = array<i32>} : memref<2048xf32, #tpu.memory_space<vmem>>, vector<16xf32>,
    %swap3A_281 = arith.constant 1088 : index
    %swap3A_282 = tpu.vector_load %arg8[%swap3A_281] {strides = array<i32>} : memref<2048xf32, #tpu.memory_space<vmem>>, vector<16xf32>,
    %swap3A_283 = vector.shape_cast %swap3A_282 : vector<16xf32> to vector<16xf32>
    %swap3A_284 = vector.shape_cast %broadcast_in_dim3A_9 : vector<16xf32> to vector<16xf32>
    tpu.vector_store %arg8[%swap3A_281], %swap3A_284 {strides = array<i32>} : memref<2048xf32, #tpu.memory_space<vmem>>, vector<16xf32>,
    %swap3A_285 = arith.constant 1104 : index
    %swap3A_286 = tpu.vector_load %arg8[%swap3A_285] {strides = array<i32>} : memref<2048xf32, #tpu.memory_space<vmem>>, vector<16xf32>,
    %swap3A_287 = vector.shape_cast %swap3A_286 : vector<16xf32> to vector<16xf32>
    %swap3A_288 = vector.shape_cast %broadcast_in_dim3A_9 : vector<16xf32> to vector<16xf32>
    tpu.vector_store %arg8[%swap3A_285], %swap3A_288 {strides = array<i32>} : memref<2048xf32, #tpu.memory_space<vmem>>, vector<16xf32>,
    %swap3A_289 = arith.constant 1120 : index
    %swap3A_290 = tpu.vector_load %arg8[%swap3A_289] {strides = array<i32>} : memref<2048xf32, #tpu.memory_space<vmem>>, vector<16xf32>,
    %swap3A_291 = vector.shape_cast %swap3A_290 : vector<16xf32> to vector<16xf32>
    %swap3A_292 = vector.shape_cast %broadcast_in_dim3A_9 : vector<16xf32> to vector<16xf32>
    tpu.vector_store %arg8[%swap3A_289], %swap3A_292 {strides = array<i32>} : memref<2048xf32, #tpu.memory_space<vmem>>, vector<16xf32>,
    %swap3A_293 = arith.constant 1136 : index
    %swap3A_294 = tpu.vector_load %arg8[%swap3A_293] {strides = array<i32>} : memref<2048xf32, #tpu.memory_space<vmem>>, vector<16xf32>,
    %swap3A_295 = vector.shape_cast %swap3A_294 : vector<16xf32> to vector<16xf32>
    %swap3A_296 = vector.shape_cast %broadcast_in_dim3A_9 : vector<16xf32> to vector<16xf32>
    tpu.vector_store %arg8[%swap3A_293], %swap3A_296 {strides = array<i32>} : memref<2048xf32, #tpu.memory_space<vmem>>, vector<16xf32>,
    %swap3A_297 = arith.constant 1152 : index
    %swap3A_298 = tpu.vector_load %arg8[%swap3A_297] {strides = array<i32>} : memref<2048xf32, #tpu.memory_space<vmem>>, vector<16xf32>,
    %swap3A_299 = vector.shape_cast %swap3A_298 : vector<16xf32> to vector<16xf32>
    %swap3A_300 = vector.shape_cast %broadcast_in_dim3A_9 : vector<16xf32> to vector<16xf32>
    tpu.vector_store %arg8[%swap3A_297], %swap3A_300 {strides = array<i32>} : memref<2048xf32, #tpu.memory_space<vmem>>, vector<16xf32>,
    %swap3A_301 = arith.constant 1168 : index
    %swap3A_302 = tpu.vector_load %arg8[%swap3A_301] {strides = array<i32>} : memref<2048xf32, #tpu.memory_space<vmem>>, vector<16xf32>,
    %swap3A_303 = vector.shape_cast %swap3A_302 : vector<16xf32> to vector<16xf32>
    %swap3A_304 = vector.shape_cast %broadcast_in_dim3A_9 : vector<16xf32> to vector<16xf32>
    tpu.vector_store %arg8[%swap3A_301], %swap3A_304 {strides = array<i32>} : memref<2048xf32, #tpu.memory_space<vmem>>, vector<16xf32>,
    %swap3A_305 = arith.constant 1184 : index
    %swap3A_306 = tpu.vector_load %arg8[%swap3A_305] {strides = array<i32>} : memref<2048xf32, #tpu.memory_space<vmem>>, vector<16xf32>,
    %swap3A_307 = vector.shape_cast %swap3A_306 : vector<16xf32> to vector<16xf32>
    %swap3A_308 = vector.shape_cast %broadcast_in_dim3A_9 : vector<16xf32> to vector<16xf32>
    tpu.vector_store %arg8[%swap3A_305], %swap3A_308 {strides = array<i32>} : memref<2048xf32, #tpu.memory_space<vmem>>, vector<16xf32>,
    %swap3A_309 = arith.constant 1200 : index
    %swap3A_310 = tpu.vector_load %arg8[%swap3A_309] {strides = array<i32>} : memref<2048xf32, #tpu.memory_space<vmem>>, vector<16xf32>,
    %swap3A_311 = vector.shape_cast %swap3A_310 : vector<16xf32> to vector<16xf32>
    %swap3A_312 = vector.shape_cast %broadcast_in_dim3A_9 : vector<16xf32> to vector<16xf32>
    tpu.vector_store %arg8[%swap3A_309], %swap3A_312 {strides = array<i32>} : memref<2048xf32, #tpu.memory_space<vmem>>, vector<16xf32>,
    %swap3A_313 = arith.constant 1216 : index
    %swap3A_314 = tpu.vector_load %arg8[%swap3A_313] {strides = array<i32>} : memref<2048xf32, #tpu.memory_space<vmem>>, vector<16xf32>,
    %swap3A_315 = vector.shape_cast %swap3A_314 : vector<16xf32> to vector<16xf32>
    %swap3A_316 = vector.shape_cast %broadcast_in_dim3A_9 : vector<16xf32> to vector<16xf32>
    tpu.vector_store %arg8[%swap3A_313], %swap3A_316 {strides = array<i32>} : memref<2048xf32, #tpu.memory_space<vmem>>, vector<16xf32>,
    %swap3A_317 = arith.constant 1232 : index
    %swap3A_318 = tpu.vector_load %arg8[%swap3A_317] {strides = array<i32>} : memref<2048xf32, #tpu.memory_space<vmem>>, vector<16xf32>,
    %swap3A_319 = vector.shape_cast %swap3A_318 : vector<16xf32> to vector<16xf32>
    %swap3A_320 = vector.shape_cast %broadcast_in_dim3A_9 : vector<16xf32> to vector<16xf32>
    tpu.vector_store %arg8[%swap3A_317], %swap3A_320 {strides = array<i32>} : memref<2048xf32, #tpu.memory_space<vmem>>, vector<16xf32>,
    %swap3A_321 = arith.constant 1248 : index
    %swap3A_322 = tpu.vector_load %arg8[%swap3A_321] {strides = array<i32>} : memref<2048xf32, #tpu.memory_space<vmem>>, vector<16xf32>,
    %swap3A_323 = vector.shape_cast %swap3A_322 : vector<16xf32> to vector<16xf32>
    %swap3A_324 = vector.shape_cast %broadcast_in_dim3A_9 : vector<16xf32> to vector<16xf32>
    tpu.vector_store %arg8[%swap3A_321], %swap3A_324 {strides = array<i32>} : memref<2048xf32, #tpu.memory_space<vmem>>, vector<16xf32>,
    %swap3A_325 = arith.constant 1264 : index
    %swap3A_326 = tpu.vector_load %arg8[%swap3A_325] {strides = array<i32>} : memref<2048xf32, #tpu.memory_space<vmem>>, vector<16xf32>,
    %swap3A_327 = vector.shape_cast %swap3A_326 : vector<16xf32> to vector<16xf32>
    %swap3A_328 = vector.shape_cast %broadcast_in_dim3A_9 : vector<16xf32> to vector<16xf32>
    tpu.vector_store %arg8[%swap3A_325], %swap3A_328 {strides = array<i32>} : memref<2048xf32, #tpu.memory_space<vmem>>, vector<16xf32>,
    %swap3A_329 = arith.constant 1280 : index
    %swap3A_330 = tpu.vector_load %arg8[%swap3A_329] {strides = array<i32>} : memref<2048xf32, #tpu.memory_space<vmem>>, vector<16xf32>,
    %swap3A_331 = vector.shape_cast %swap3A_330 : vector<16xf32> to vector<16xf32>
    %swap3A_332 = vector.shape_cast %broadcast_in_dim3A_9 : vector<16xf32> to vector<16xf32>
    tpu.vector_store %arg8[%swap3A_329], %swap3A_332 {strides = array<i32>} : memref<2048xf32, #tpu.memory_space<vmem>>, vector<16xf32>,
    %swap3A_333 = arith.constant 1296 : index
    %swap3A_334 = tpu.vector_load %arg8[%swap3A_333] {strides = array<i32>} : memref<2048xf32, #tpu.memory_space<vmem>>, vector<16xf32>,
    %swap3A_335 = vector.shape_cast %swap3A_334 : vector<16xf32> to vector<16xf32>
    %swap3A_336 = vector.shape_cast %broadcast_in_dim3A_9 : vector<16xf32> to vector<16xf32>
    tpu.vector_store %arg8[%swap3A_333], %swap3A_336 {strides = array<i32>} : memref<2048xf32, #tpu.memory_space<vmem>>, vector<16xf32>,
    %swap3A_337 = arith.constant 1312 : index
    %swap3A_338 = tpu.vector_load %arg8[%swap3A_337] {strides = array<i32>} : memref<2048xf32, #tpu.memory_space<vmem>>, vector<16xf32>,
    %swap3A_339 = vector.shape_cast %swap3A_338 : vector<16xf32> to vector<16xf32>
    %swap3A_340 = vector.shape_cast %broadcast_in_dim3A_9 : vector<16xf32> to vector<16xf32>
    tpu.vector_store %arg8[%swap3A_337], %swap3A_340 {strides = array<i32>} : memref<2048xf32, #tpu.memory_space<vmem>>, vector<16xf32>,
    %swap3A_341 = arith.constant 1328 : index
    %swap3A_342 = tpu.vector_load %arg8[%swap3A_341] {strides = array<i32>} : memref<2048xf32, #tpu.memory_space<vmem>>, vector<16xf32>,
    %swap3A_343 = vector.shape_cast %swap3A_342 : vector<16xf32> to vector<16xf32>
    %swap3A_344 = vector.shape_cast %broadcast_in_dim3A_9 : vector<16xf32> to vector<16xf32>
    tpu.vector_store %arg8[%swap3A_341], %swap3A_344 {strides = array<i32>} : memref<2048xf32, #tpu.memory_space<vmem>>, vector<16xf32>,
    %swap3A_345 = arith.constant 1344 : index
    %swap3A_346 = tpu.vector_load %arg8[%swap3A_345] {strides = array<i32>} : memref<2048xf32, #tpu.memory_space<vmem>>, vector<16xf32>,
    %swap3A_347 = vector.shape_cast %swap3A_346 : vector<16xf32> to vector<16xf32>
    %swap3A_348 = vector.shape_cast %broadcast_in_dim3A_9 : vector<16xf32> to vector<16xf32>
    tpu.vector_store %arg8[%swap3A_345], %swap3A_348 {strides = array<i32>} : memref<2048xf32, #tpu.memory_space<vmem>>, vector<16xf32>,
    %swap3A_349 = arith.constant 1360 : index
    %swap3A_350 = tpu.vector_load %arg8[%swap3A_349] {strides = array<i32>} : memref<2048xf32, #tpu.memory_space<vmem>>, vector<16xf32>,
    %swap3A_351 = vector.shape_cast %swap3A_350 : vector<16xf32> to vector<16xf32>
    %swap3A_352 = vector.shape_cast %broadcast_in_dim3A_9 : vector<16xf32> to vector<16xf32>
    tpu.vector_store %arg8[%swap3A_349], %swap3A_352 {strides = array<i32>} : memref<2048xf32, #tpu.memory_space<vmem>>, vector<16xf32>,
    %swap3A_353 = arith.constant 1376 : index
    %swap3A_354 = tpu.vector_load %arg8[%swap3A_353] {strides = array<i32>} : memref<2048xf32, #tpu.memory_space<vmem>>, vector<16xf32>,
    %swap3A_355 = vector.shape_cast %swap3A_354 : vector<16xf32> to vector<16xf32>
    %swap3A_356 = vector.shape_cast %broadcast_in_dim3A_9 : vector<16xf32> to vector<16xf32>
    tpu.vector_store %arg8[%swap3A_353], %swap3A_356 {strides = array<i32>} : memref<2048xf32, #tpu.memory_space<vmem>>, vector<16xf32>,
    %swap3A_357 = arith.constant 1392 : index
    %swap3A_358 = tpu.vector_load %arg8[%swap3A_357] {strides = array<i32>} : memref<2048xf32, #tpu.memory_space<vmem>>, vector<16xf32>,
    %swap3A_359 = vector.shape_cast %swap3A_358 : vector<16xf32> to vector<16xf32>
    %swap3A_360 = vector.shape_cast %broadcast_in_dim3A_9 : vector<16xf32> to vector<16xf32>
    tpu.vector_store %arg8[%swap3A_357], %swap3A_360 {strides = array<i32>} : memref<2048xf32, #tpu.memory_space<vmem>>, vector<16xf32>,
    %swap3A_361 = arith.constant 1408 : index
    %swap3A_362 = tpu.vector_load %arg8[%swap3A_361] {strides = array<i32>} : memref<2048xf32, #tpu.memory_space<vmem>>, vector<16xf32>,
    %swap3A_363 = vector.shape_cast %swap3A_362 : vector<16xf32> to vector<16xf32>
    %swap3A_364 = vector.shape_cast %broadcast_in_dim3A_9 : vector<16xf32> to vector<16xf32>
    tpu.vector_store %arg8[%swap3A_361], %swap3A_364 {strides = array<i32>} : memref<2048xf32, #tpu.memory_space<vmem>>, vector<16xf32>,
    %swap3A_365 = arith.constant 1424 : index
    %swap3A_366 = tpu.vector_load %arg8[%swap3A_365] {strides = array<i32>} : memref<2048xf32, #tpu.memory_space<vmem>>, vector<16xf32>,
    %swap3A_367 = vector.shape_cast %swap3A_366 : vector<16xf32> to vector<16xf32>
    %swap3A_368 = vector.shape_cast %broadcast_in_dim3A_9 : vector<16xf32> to vector<16xf32>
    tpu.vector_store %arg8[%swap3A_365], %swap3A_368 {strides = array<i32>} : memref<2048xf32, #tpu.memory_space<vmem>>, vector<16xf32>,
    %swap3A_369 = arith.constant 1440 : index
    %swap3A_370 = tpu.vector_load %arg8[%swap3A_369] {strides = array<i32>} : memref<2048xf32, #tpu.memory_space<vmem>>, vector<16xf32>,
    %swap3A_371 = vector.shape_cast %swap3A_370 : vector<16xf32> to vector<16xf32>
    %swap3A_372 = vector.shape_cast %broadcast_in_dim3A_9 : vector<16xf32> to vector<16xf32>
    tpu.vector_store %arg8[%swap3A_369], %swap3A_372 {strides = array<i32>} : memref<2048xf32, #tpu.memory_space<vmem>>, vector<16xf32>,
    %swap3A_373 = arith.constant 1456 : index
    %swap3A_374 = tpu.vector_load %arg8[%swap3A_373] {strides = array<i32>} : memref<2048xf32, #tpu.memory_space<vmem>>, vector<16xf32>,
    %swap3A_375 = vector.shape_cast %swap3A_374 : vector<16xf32> to vector<16xf32>
    %swap3A_376 = vector.shape_cast %broadcast_in_dim3A_9 : vector<16xf32> to vector<16xf32>
    tpu.vector_store %arg8[%swap3A_373], %swap3A_376 {strides = array<i32>} : memref<2048xf32, #tpu.memory_space<vmem>>, vector<16xf32>,
    %swap3A_377 = arith.constant 1472 : index
    %swap3A_378 = tpu.vector_load %arg8[%swap3A_377] {strides = array<i32>} : memref<2048xf32, #tpu.memory_space<vmem>>, vector<16xf32>,
    %swap3A_379 = vector.shape_cast %swap3A_378 : vector<16xf32> to vector<16xf32>
    %swap3A_380 = vector.shape_cast %broadcast_in_dim3A_9 : vector<16xf32> to vector<16xf32>
    tpu.vector_store %arg8[%swap3A_377], %swap3A_380 {strides = array<i32>} : memref<2048xf32, #tpu.memory_space<vmem>>, vector<16xf32>,
    %swap3A_381 = arith.constant 1488 : index
    %swap3A_382 = tpu.vector_load %arg8[%swap3A_381] {strides = array<i32>} : memref<2048xf32, #tpu.memory_space<vmem>>, vector<16xf32>,
    %swap3A_383 = vector.shape_cast %swap3A_382 : vector<16xf32> to vector<16xf32>
    %swap3A_384 = vector.shape_cast %broadcast_in_dim3A_9 : vector<16xf32> to vector<16xf32>
    tpu.vector_store %arg8[%swap3A_381], %swap3A_384 {strides = array<i32>} : memref<2048xf32, #tpu.memory_space<vmem>>, vector<16xf32>,
    %swap3A_385 = arith.constant 1504 : index
    %swap3A_386 = tpu.vector_load %arg8[%swap3A_385] {strides = array<i32>} : memref<2048xf32, #tpu.memory_space<vmem>>, vector<16xf32>,
    %swap3A_387 = vector.shape_cast %swap3A_386 : vector<16xf32> to vector<16xf32>
    %swap3A_388 = vector.shape_cast %broadcast_in_dim3A_9 : vector<16xf32> to vector<16xf32>
    tpu.vector_store %arg8[%swap3A_385], %swap3A_388 {strides = array<i32>} : memref<2048xf32, #tpu.memory_space<vmem>>, vector<16xf32>,
    %swap3A_389 = arith.constant 1520 : index
    %swap3A_390 = tpu.vector_load %arg8[%swap3A_389] {strides = array<i32>} : memref<2048xf32, #tpu.memory_space<vmem>>, vector<16xf32>,
    %swap3A_391 = vector.shape_cast %swap3A_390 : vector<16xf32> to vector<16xf32>
    %swap3A_392 = vector.shape_cast %broadcast_in_dim3A_9 : vector<16xf32> to vector<16xf32>
    tpu.vector_store %arg8[%swap3A_389], %swap3A_392 {strides = array<i32>} : memref<2048xf32, #tpu.memory_space<vmem>>, vector<16xf32>,
    %swap3A_393 = arith.constant 1536 : index
    %swap3A_394 = tpu.vector_load %arg8[%swap3A_393] {strides = array<i32>} : memref<2048xf32, #tpu.memory_space<vmem>>, vector<16xf32>,
    %swap3A_395 = vector.shape_cast %swap3A_394 : vector<16xf32> to vector<16xf32>
    %swap3A_396 = vector.shape_cast %broadcast_in_dim3A_9 : vector<16xf32> to vector<16xf32>
    tpu.vector_store %arg8[%swap3A_393], %swap3A_396 {strides = array<i32>} : memref<2048xf32, #tpu.memory_space<vmem>>, vector<16xf32>,
    %swap3A_397 = arith.constant 1552 : index
    %swap3A_398 = tpu.vector_load %arg8[%swap3A_397] {strides = array<i32>} : memref<2048xf32, #tpu.memory_space<vmem>>, vector<16xf32>,
    %swap3A_399 = vector.shape_cast %swap3A_398 : vector<16xf32> to vector<16xf32>
    %swap3A_400 = vector.shape_cast %broadcast_in_dim3A_9 : vector<16xf32> to vector<16xf32>
    tpu.vector_store %arg8[%swap3A_397], %swap3A_400 {strides = array<i32>} : memref<2048xf32, #tpu.memory_space<vmem>>, vector<16xf32>,
    %swap3A_401 = arith.constant 1568 : index
    %swap3A_402 = tpu.vector_load %arg8[%swap3A_401] {strides = array<i32>} : memref<2048xf32, #tpu.memory_space<vmem>>, vector<16xf32>,
    %swap3A_403 = vector.shape_cast %swap3A_402 : vector<16xf32> to vector<16xf32>
    %swap3A_404 = vector.shape_cast %broadcast_in_dim3A_9 : vector<16xf32> to vector<16xf32>
    tpu.vector_store %arg8[%swap3A_401], %swap3A_404 {strides = array<i32>} : memref<2048xf32, #tpu.memory_space<vmem>>, vector<16xf32>,
    %swap3A_405 = arith.constant 1584 : index
    %swap3A_406 = tpu.vector_load %arg8[%swap3A_405] {strides = array<i32>} : memref<2048xf32, #tpu.memory_space<vmem>>, vector<16xf32>,
    %swap3A_407 = vector.shape_cast %swap3A_406 : vector<16xf32> to vector<16xf32>
    %swap3A_408 = vector.shape_cast %broadcast_in_dim3A_9 : vector<16xf32> to vector<16xf32>
    tpu.vector_store %arg8[%swap3A_405], %swap3A_408 {strides = array<i32>} : memref<2048xf32, #tpu.memory_space<vmem>>, vector<16xf32>,
    %swap3A_409 = arith.constant 1600 : index
    %swap3A_410 = tpu.vector_load %arg8[%swap3A_409] {strides = array<i32>} : memref<2048xf32, #tpu.memory_space<vmem>>, vector<16xf32>,
    %swap3A_411 = vector.shape_cast %swap3A_410 : vector<16xf32> to vector<16xf32>
    %swap3A_412 = vector.shape_cast %broadcast_in_dim3A_9 : vector<16xf32> to vector<16xf32>
    tpu.vector_store %arg8[%swap3A_409], %swap3A_412 {strides = array<i32>} : memref<2048xf32, #tpu.memory_space<vmem>>, vector<16xf32>,
    %swap3A_413 = arith.constant 1616 : index
    %swap3A_414 = tpu.vector_load %arg8[%swap3A_413] {strides = array<i32>} : memref<2048xf32, #tpu.memory_space<vmem>>, vector<16xf32>,
    %swap3A_415 = vector.shape_cast %swap3A_414 : vector<16xf32> to vector<16xf32>
    %swap3A_416 = vector.shape_cast %broadcast_in_dim3A_9 : vector<16xf32> to vector<16xf32>
    tpu.vector_store %arg8[%swap3A_413], %swap3A_416 {strides = array<i32>} : memref<2048xf32, #tpu.memory_space<vmem>>, vector<16xf32>,
    %swap3A_417 = arith.constant 1632 : index
    %swap3A_418 = tpu.vector_load %arg8[%swap3A_417] {strides = array<i32>} : memref<2048xf32, #tpu.memory_space<vmem>>, vector<16xf32>,
    %swap3A_419 = vector.shape_cast %swap3A_418 : vector<16xf32> to vector<16xf32>
    %swap3A_420 = vector.shape_cast %broadcast_in_dim3A_9 : vector<16xf32> to vector<16xf32>
    tpu.vector_store %arg8[%swap3A_417], %swap3A_420 {strides = array<i32>} : memref<2048xf32, #tpu.memory_space<vmem>>, vector<16xf32>,
    %swap3A_421 = arith.constant 1648 : index
    %swap3A_422 = tpu.vector_load %arg8[%swap3A_421] {strides = array<i32>} : memref<2048xf32, #tpu.memory_space<vmem>>, vector<16xf32>,
    %swap3A_423 = vector.shape_cast %swap3A_422 : vector<16xf32> to vector<16xf32>
    %swap3A_424 = vector.shape_cast %broadcast_in_dim3A_9 : vector<16xf32> to vector<16xf32>
    tpu.vector_store %arg8[%swap3A_421], %swap3A_424 {strides = array<i32>} : memref<2048xf32, #tpu.memory_space<vmem>>, vector<16xf32>,
    %swap3A_425 = arith.constant 1664 : index
    %swap3A_426 = tpu.vector_load %arg8[%swap3A_425] {strides = array<i32>} : memref<2048xf32, #tpu.memory_space<vmem>>, vector<16xf32>,
    %swap3A_427 = vector.shape_cast %swap3A_426 : vector<16xf32> to vector<16xf32>
    %swap3A_428 = vector.shape_cast %broadcast_in_dim3A_9 : vector<16xf32> to vector<16xf32>
    tpu.vector_store %arg8[%swap3A_425], %swap3A_428 {strides = array<i32>} : memref<2048xf32, #tpu.memory_space<vmem>>, vector<16xf32>,
    %swap3A_429 = arith.constant 1680 : index
    %swap3A_430 = tpu.vector_load %arg8[%swap3A_429] {strides = array<i32>} : memref<2048xf32, #tpu.memory_space<vmem>>, vector<16xf32>,
    %swap3A_431 = vector.shape_cast %swap3A_430 : vector<16xf32> to vector<16xf32>
    %swap3A_432 = vector.shape_cast %broadcast_in_dim3A_9 : vector<16xf32> to vector<16xf32>
    tpu.vector_store %arg8[%swap3A_429], %swap3A_432 {strides = array<i32>} : memref<2048xf32, #tpu.memory_space<vmem>>, vector<16xf32>,
    %swap3A_433 = arith.constant 1696 : index
    %swap3A_434 = tpu.vector_load %arg8[%swap3A_433] {strides = array<i32>} : memref<2048xf32, #tpu.memory_space<vmem>>, vector<16xf32>,
    %swap3A_435 = vector.shape_cast %swap3A_434 : vector<16xf32> to vector<16xf32>
    %swap3A_436 = vector.shape_cast %broadcast_in_dim3A_9 : vector<16xf32> to vector<16xf32>
    tpu.vector_store %arg8[%swap3A_433], %swap3A_436 {strides = array<i32>} : memref<2048xf32, #tpu.memory_space<vmem>>, vector<16xf32>,
    %swap3A_437 = arith.constant 1712 : index
    %swap3A_438 = tpu.vector_load %arg8[%swap3A_437] {strides = array<i32>} : memref<2048xf32, #tpu.memory_space<vmem>>, vector<16xf32>,
    %swap3A_439 = vector.shape_cast %swap3A_438 : vector<16xf32> to vector<16xf32>
    %swap3A_440 = vector.shape_cast %broadcast_in_dim3A_9 : vector<16xf32> to vector<16xf32>
    tpu.vector_store %arg8[%swap3A_437], %swap3A_440 {strides = array<i32>} : memref<2048xf32, #tpu.memory_space<vmem>>, vector<16xf32>,
    %swap3A_441 = arith.constant 1728 : index
    %swap3A_442 = tpu.vector_load %arg8[%swap3A_441] {strides = array<i32>} : memref<2048xf32, #tpu.memory_space<vmem>>, vector<16xf32>,
    %swap3A_443 = vector.shape_cast %swap3A_442 : vector<16xf32> to vector<16xf32>
    %swap3A_444 = vector.shape_cast %broadcast_in_dim3A_9 : vector<16xf32> to vector<16xf32>
    tpu.vector_store %arg8[%swap3A_441], %swap3A_444 {strides = array<i32>} : memref<2048xf32, #tpu.memory_space<vmem>>, vector<16xf32>,
    %swap3A_445 = arith.constant 1744 : index
    %swap3A_446 = tpu.vector_load %arg8[%swap3A_445] {strides = array<i32>} : memref<2048xf32, #tpu.memory_space<vmem>>, vector<16xf32>,
    %swap3A_447 = vector.shape_cast %swap3A_446 : vector<16xf32> to vector<16xf32>
    %swap3A_448 = vector.shape_cast %broadcast_in_dim3A_9 : vector<16xf32> to vector<16xf32>
    tpu.vector_store %arg8[%swap3A_445], %swap3A_448 {strides = array<i32>} : memref<2048xf32, #tpu.memory_space<vmem>>, vector<16xf32>,
    %swap3A_449 = arith.constant 1760 : index
    %swap3A_450 = tpu.vector_load %arg8[%swap3A_449] {strides = array<i32>} : memref<2048xf32, #tpu.memory_space<vmem>>, vector<16xf32>,
    %swap3A_451 = vector.shape_cast %swap3A_450 : vector<16xf32> to vector<16xf32>
    %swap3A_452 = vector.shape_cast %broadcast_in_dim3A_9 : vector<16xf32> to vector<16xf32>
    tpu.vector_store %arg8[%swap3A_449], %swap3A_452 {strides = array<i32>} : memref<2048xf32, #tpu.memory_space<vmem>>, vector<16xf32>,
    %swap3A_453 = arith.constant 1776 : index
    %swap3A_454 = tpu.vector_load %arg8[%swap3A_453] {strides = array<i32>} : memref<2048xf32, #tpu.memory_space<vmem>>, vector<16xf32>,
    %swap3A_455 = vector.shape_cast %swap3A_454 : vector<16xf32> to vector<16xf32>
    %swap3A_456 = vector.shape_cast %broadcast_in_dim3A_9 : vector<16xf32> to vector<16xf32>
    tpu.vector_store %arg8[%swap3A_453], %swap3A_456 {strides = array<i32>} : memref<2048xf32, #tpu.memory_space<vmem>>, vector<16xf32>,
    %swap3A_457 = arith.constant 1792 : index
    %swap3A_458 = tpu.vector_load %arg8[%swap3A_457] {strides = array<i32>} : memref<2048xf32, #tpu.memory_space<vmem>>, vector<16xf32>,
    %swap3A_459 = vector.shape_cast %swap3A_458 : vector<16xf32> to vector<16xf32>
    %swap3A_460 = vector.shape_cast %broadcast_in_dim3A_9 : vector<16xf32> to vector<16xf32>
    tpu.vector_store %arg8[%swap3A_457], %swap3A_460 {strides = array<i32>} : memref<2048xf32, #tpu.memory_space<vmem>>, vector<16xf32>,
    %swap3A_461 = arith.constant 1808 : index
    %swap3A_462 = tpu.vector_load %arg8[%swap3A_461] {strides = array<i32>} : memref<2048xf32, #tpu.memory_space<vmem>>, vector<16xf32>,
    %swap3A_463 = vector.shape_cast %swap3A_462 : vector<16xf32> to vector<16xf32>
    %swap3A_464 = vector.shape_cast %broadcast_in_dim3A_9 : vector<16xf32> to vector<16xf32>
    tpu.vector_store %arg8[%swap3A_461], %swap3A_464 {strides = array<i32>} : memref<2048xf32, #tpu.memory_space<vmem>>, vector<16xf32>,
    %swap3A_465 = arith.constant 1824 : index
    %swap3A_466 = tpu.vector_load %arg8[%swap3A_465] {strides = array<i32>} : memref<2048xf32, #tpu.memory_space<vmem>>, vector<16xf32>,
    %swap3A_467 = vector.shape_cast %swap3A_466 : vector<16xf32> to vector<16xf32>
    %swap3A_468 = vector.shape_cast %broadcast_in_dim3A_9 : vector<16xf32> to vector<16xf32>
    tpu.vector_store %arg8[%swap3A_465], %swap3A_468 {strides = array<i32>} : memref<2048xf32, #tpu.memory_space<vmem>>, vector<16xf32>,
    %swap3A_469 = arith.constant 1840 : index
    %swap3A_470 = tpu.vector_load %arg8[%swap3A_469] {strides = array<i32>} : memref<2048xf32, #tpu.memory_space<vmem>>, vector<16xf32>,
    %swap3A_471 = vector.shape_cast %swap3A_470 : vector<16xf32> to vector<16xf32>
    %swap3A_472 = vector.shape_cast %broadcast_in_dim3A_9 : vector<16xf32> to vector<16xf32>
    tpu.vector_store %arg8[%swap3A_469], %swap3A_472 {strides = array<i32>} : memref<2048xf32, #tpu.memory_space<vmem>>, vector<16xf32>,
    %swap3A_473 = arith.constant 1856 : index
    %swap3A_474 = tpu.vector_load %arg8[%swap3A_473] {strides = array<i32>} : memref<2048xf32, #tpu.memory_space<vmem>>, vector<16xf32>,
    %swap3A_475 = vector.shape_cast %swap3A_474 : vector<16xf32> to vector<16xf32>
    %swap3A_476 = vector.shape_cast %broadcast_in_dim3A_9 : vector<16xf32> to vector<16xf32>
    tpu.vector_store %arg8[%swap3A_473], %swap3A_476 {strides = array<i32>} : memref<2048xf32, #tpu.memory_space<vmem>>, vector<16xf32>,
    %swap3A_477 = arith.constant 1872 : index
    %swap3A_478 = tpu.vector_load %arg8[%swap3A_477] {strides = array<i32>} : memref<2048xf32, #tpu.memory_space<vmem>>, vector<16xf32>,
    %swap3A_479 = vector.shape_cast %swap3A_478 : vector<16xf32> to vector<16xf32>
    %swap3A_480 = vector.shape_cast %broadcast_in_dim3A_9 : vector<16xf32> to vector<16xf32>
    tpu.vector_store %arg8[%swap3A_477], %swap3A_480 {strides = array<i32>} : memref<2048xf32, #tpu.memory_space<vmem>>, vector<16xf32>,
    %swap3A_481 = arith.constant 1888 : index
    %swap3A_482 = tpu.vector_load %arg8[%swap3A_481] {strides = array<i32>} : memref<2048xf32, #tpu.memory_space<vmem>>, vector<16xf32>,
    %swap3A_483 = vector.shape_cast %swap3A_482 : vector<16xf32> to vector<16xf32>
    %swap3A_484 = vector.shape_cast %broadcast_in_dim3A_9 : vector<16xf32> to vector<16xf32>
    tpu.vector_store %arg8[%swap3A_481], %swap3A_484 {strides = array<i32>} : memref<2048xf32, #tpu.memory_space<vmem>>, vector<16xf32>,
    %swap3A_485 = arith.constant 1904 : index
    %swap3A_486 = tpu.vector_load %arg8[%swap3A_485] {strides = array<i32>} : memref<2048xf32, #tpu.memory_space<vmem>>, vector<16xf32>,
    %swap3A_487 = vector.shape_cast %swap3A_486 : vector<16xf32> to vector<16xf32>
    %swap3A_488 = vector.shape_cast %broadcast_in_dim3A_9 : vector<16xf32> to vector<16xf32>
    tpu.vector_store %arg8[%swap3A_485], %swap3A_488 {strides = array<i32>} : memref<2048xf32, #tpu.memory_space<vmem>>, vector<16xf32>,
    %swap3A_489 = arith.constant 1920 : index
    %swap3A_490 = tpu.vector_load %arg8[%swap3A_489] {strides = array<i32>} : memref<2048xf32, #tpu.memory_space<vmem>>, vector<16xf32>,
    %swap3A_491 = vector.shape_cast %swap3A_490 : vector<16xf32> to vector<16xf32>
    %swap3A_492 = vector.shape_cast %broadcast_in_dim3A_9 : vector<16xf32> to vector<16xf32>
    tpu.vector_store %arg8[%swap3A_489], %swap3A_492 {strides = array<i32>} : memref<2048xf32, #tpu.memory_space<vmem>>, vector<16xf32>,
    %swap3A_493 = arith.constant 1936 : index
    %swap3A_494 = tpu.vector_load %arg8[%swap3A_493] {strides = array<i32>} : memref<2048xf32, #tpu.memory_space<vmem>>, vector<16xf32>,
    %swap3A_495 = vector.shape_cast %swap3A_494 : vector<16xf32> to vector<16xf32>
    %swap3A_496 = vector.shape_cast %broadcast_in_dim3A_9 : vector<16xf32> to vector<16xf32>
    tpu.vector_store %arg8[%swap3A_493], %swap3A_496 {strides = array<i32>} : memref<2048xf32, #tpu.memory_space<vmem>>, vector<16xf32>,
    %swap3A_497 = arith.constant 1952 : index
    %swap3A_498 = tpu.vector_load %arg8[%swap3A_497] {strides = array<i32>} : memref<2048xf32, #tpu.memory_space<vmem>>, vector<16xf32>,
    %swap3A_499 = vector.shape_cast %swap3A_498 : vector<16xf32> to vector<16xf32>
    %swap3A_500 = vector.shape_cast %broadcast_in_dim3A_9 : vector<16xf32> to vector<16xf32>
    tpu.vector_store %arg8[%swap3A_497], %swap3A_500 {strides = array<i32>} : memref<2048xf32, #tpu.memory_space<vmem>>, vector<16xf32>,
    %swap3A_501 = arith.constant 1968 : index
    %swap3A_502 = tpu.vector_load %arg8[%swap3A_501] {strides = array<i32>} : memref<2048xf32, #tpu.memory_space<vmem>>, vector<16xf32>,
    %swap3A_503 = vector.shape_cast %swap3A_502 : vector<16xf32> to vector<16xf32>
    %swap3A_504 = vector.shape_cast %broadcast_in_dim3A_9 : vector<16xf32> to vector<16xf32>
    tpu.vector_store %arg8[%swap3A_501], %swap3A_504 {strides = array<i32>} : memref<2048xf32, #tpu.memory_space<vmem>>, vector<16xf32>,
    %swap3A_505 = arith.constant 1984 : index
    %swap3A_506 = tpu.vector_load %arg8[%swap3A_505] {strides = array<i32>} : memref<2048xf32, #tpu.memory_space<vmem>>, vector<16xf32>,
    %swap3A_507 = vector.shape_cast %swap3A_506 : vector<16xf32> to vector<16xf32>
    %swap3A_508 = vector.shape_cast %broadcast_in_dim3A_9 : vector<16xf32> to vector<16xf32>
    tpu.vector_store %arg8[%swap3A_505], %swap3A_508 {strides = array<i32>} : memref<2048xf32, #tpu.memory_space<vmem>>, vector<16xf32>,
    %swap3A_509 = arith.constant 2000 : index
    %swap3A_510 = tpu.vector_load %arg8[%swap3A_509] {strides = array<i32>} : memref<2048xf32, #tpu.memory_space<vmem>>, vector<16xf32>,
    %swap3A_511 = vector.shape_cast %swap3A_510 : vector<16xf32> to vector<16xf32>
    %swap3A_512 = vector.shape_cast %broadcast_in_dim3A_9 : vector<16xf32> to vector<16xf32>
    tpu.vector_store %arg8[%swap3A_509], %swap3A_512 {strides = array<i32>} : memref<2048xf32, #tpu.memory_space<vmem>>, vector<16xf32>,
    %swap3A_513 = arith.constant 2016 : index
    %swap3A_514 = tpu.vector_load %arg8[%swap3A_513] {strides = array<i32>} : memref<2048xf32, #tpu.memory_space<vmem>>, vector<16xf32>,
    %swap3A_515 = vector.shape_cast %swap3A_514 : vector<16xf32> to vector<16xf32>
    %swap3A_516 = vector.shape_cast %broadcast_in_dim3A_9 : vector<16xf32> to vector<16xf32>
    tpu.vector_store %arg8[%swap3A_513], %swap3A_516 {strides = array<i32>} : memref<2048xf32, #tpu.memory_space<vmem>>, vector<16xf32>,
    %swap3A_517 = arith.constant 2032 : index
    %swap3A_518 = tpu.vector_load %arg8[%swap3A_517] {strides = array<i32>} : memref<2048xf32, #tpu.memory_space<vmem>>, vector<16xf32>,
    %swap3A_519 = vector.shape_cast %swap3A_518 : vector<16xf32> to vector<16xf32>
    %swap3A_520 = vector.shape_cast %broadcast_in_dim3A_9 : vector<16xf32> to vector<16xf32>
    tpu.vector_store %arg8[%swap3A_517], %swap3A_520 {strides = array<i32>} : memref<2048xf32, #tpu.memory_space<vmem>>, vector<16xf32>,
    %eq3A = arith.constant 0 : i32
    %eq3A_521 = arith.cmpi eq, %arg1, %eq3A : i32
    %convert_element_type3A = arith.extui %eq3A_521 : i1 to i32
    %cond3A = arith.constant 0 : i32
    %cond3A_522 = arith.cmpi ne, %convert_element_type3A, %cond3A : i32
    scf.if %cond3A_522 {
      %swap3A_529 = arith.constant 0 : index
      %swap3A_530 = tpu.vector_load %arg9[%swap3A_529] {strides = array<i32>} : memref<1024xf32, #tpu.memory_space<vmem>>, vector<16xf32>,
      %swap3A_531 = vector.shape_cast %swap3A_530 : vector<16xf32> to vector<16xf32>
      %swap3A_532 = vector.shape_cast %broadcast_in_dim3A_7 : vector<16xf32> to vector<16xf32>
      tpu.vector_store %arg9[%swap3A_529], %swap3A_532 {strides = array<i32>} : memref<1024xf32, #tpu.memory_space<vmem>>, vector<16xf32>,
      %swap3A_533 = arith.constant 16 : index
      %swap3A_534 = tpu.vector_load %arg9[%swap3A_533] {strides = array<i32>} : memref<1024xf32, #tpu.memory_space<vmem>>, vector<16xf32>,
      %swap3A_535 = vector.shape_cast %swap3A_534 : vector<16xf32> to vector<16xf32>
      %swap3A_536 = vector.shape_cast %broadcast_in_dim3A_7 : vector<16xf32> to vector<16xf32>
      tpu.vector_store %arg9[%swap3A_533], %swap3A_536 {strides = array<i32>} : memref<1024xf32, #tpu.memory_space<vmem>>, vector<16xf32>,
      %swap3A_537 = arith.constant 32 : index
      %swap3A_538 = tpu.vector_load %arg9[%swap3A_537] {strides = array<i32>} : memref<1024xf32, #tpu.memory_space<vmem>>, vector<16xf32>,
      %swap3A_539 = vector.shape_cast %swap3A_538 : vector<16xf32> to vector<16xf32>
      %swap3A_540 = vector.shape_cast %broadcast_in_dim3A_7 : vector<16xf32> to vector<16xf32>
      tpu.vector_store %arg9[%swap3A_537], %swap3A_540 {strides = array<i32>} : memref<1024xf32, #tpu.memory_space<vmem>>, vector<16xf32>,
      %swap3A_541 = arith.constant 48 : index
      %swap3A_542 = tpu.vector_load %arg9[%swap3A_541] {strides = array<i32>} : memref<1024xf32, #tpu.memory_space<vmem>>, vector<16xf32>,
      %swap3A_543 = vector.shape_cast %swap3A_542 : vector<16xf32> to vector<16xf32>
      %swap3A_544 = vector.shape_cast %broadcast_in_dim3A_7 : vector<16xf32> to vector<16xf32>
      tpu.vector_store %arg9[%swap3A_541], %swap3A_544 {strides = array<i32>} : memref<1024xf32, #tpu.memory_space<vmem>>, vector<16xf32>,
      %swap3A_545 = arith.constant 64 : index
      %swap3A_546 = tpu.vector_load %arg9[%swap3A_545] {strides = array<i32>} : memref<1024xf32, #tpu.memory_space<vmem>>, vector<16xf32>,
      %swap3A_547 = vector.shape_cast %swap3A_546 : vector<16xf32> to vector<16xf32>
      %swap3A_548 = vector.shape_cast %broadcast_in_dim3A_7 : vector<16xf32> to vector<16xf32>
      tpu.vector_store %arg9[%swap3A_545], %swap3A_548 {strides = array<i32>} : memref<1024xf32, #tpu.memory_space<vmem>>, vector<16xf32>,
      %swap3A_549 = arith.constant 80 : index
      %swap3A_550 = tpu.vector_load %arg9[%swap3A_549] {strides = array<i32>} : memref<1024xf32, #tpu.memory_space<vmem>>, vector<16xf32>,
      %swap3A_551 = vector.shape_cast %swap3A_550 : vector<16xf32> to vector<16xf32>
      %swap3A_552 = vector.shape_cast %broadcast_in_dim3A_7 : vector<16xf32> to vector<16xf32>
      tpu.vector_store %arg9[%swap3A_549], %swap3A_552 {strides = array<i32>} : memref<1024xf32, #tpu.memory_space<vmem>>, vector<16xf32>,
      %swap3A_553 = arith.constant 96 : index
      %swap3A_554 = tpu.vector_load %arg9[%swap3A_553] {strides = array<i32>} : memref<1024xf32, #tpu.memory_space<vmem>>, vector<16xf32>,
      %swap3A_555 = vector.shape_cast %swap3A_554 : vector<16xf32> to vector<16xf32>
      %swap3A_556 = vector.shape_cast %broadcast_in_dim3A_7 : vector<16xf32> to vector<16xf32>
      tpu.vector_store %arg9[%swap3A_553], %swap3A_556 {strides = array<i32>} : memref<1024xf32, #tpu.memory_space<vmem>>, vector<16xf32>,
      %swap3A_557 = arith.constant 112 : index
      %swap3A_558 = tpu.vector_load %arg9[%swap3A_557] {strides = array<i32>} : memref<1024xf32, #tpu.memory_space<vmem>>, vector<16xf32>,
      %swap3A_559 = vector.shape_cast %swap3A_558 : vector<16xf32> to vector<16xf32>
      %swap3A_560 = vector.shape_cast %broadcast_in_dim3A_7 : vector<16xf32> to vector<16xf32>
      tpu.vector_store %arg9[%swap3A_557], %swap3A_560 {strides = array<i32>} : memref<1024xf32, #tpu.memory_space<vmem>>, vector<16xf32>,
      %swap3A_561 = arith.constant 128 : index
      %swap3A_562 = tpu.vector_load %arg9[%swap3A_561] {strides = array<i32>} : memref<1024xf32, #tpu.memory_space<vmem>>, vector<16xf32>,
      %swap3A_563 = vector.shape_cast %swap3A_562 : vector<16xf32> to vector<16xf32>
      %swap3A_564 = vector.shape_cast %broadcast_in_dim3A_7 : vector<16xf32> to vector<16xf32>
      tpu.vector_store %arg9[%swap3A_561], %swap3A_564 {strides = array<i32>} : memref<1024xf32, #tpu.memory_space<vmem>>, vector<16xf32>,
      %swap3A_565 = arith.constant 144 : index
      %swap3A_566 = tpu.vector_load %arg9[%swap3A_565] {strides = array<i32>} : memref<1024xf32, #tpu.memory_space<vmem>>, vector<16xf32>,
      %swap3A_567 = vector.shape_cast %swap3A_566 : vector<16xf32> to vector<16xf32>
      %swap3A_568 = vector.shape_cast %broadcast_in_dim3A_7 : vector<16xf32> to vector<16xf32>
      tpu.vector_store %arg9[%swap3A_565], %swap3A_568 {strides = array<i32>} : memref<1024xf32, #tpu.memory_space<vmem>>, vector<16xf32>,
      %swap3A_569 = arith.constant 160 : index
      %swap3A_570 = tpu.vector_load %arg9[%swap3A_569] {strides = array<i32>} : memref<1024xf32, #tpu.memory_space<vmem>>, vector<16xf32>,
      %swap3A_571 = vector.shape_cast %swap3A_570 : vector<16xf32> to vector<16xf32>
      %swap3A_572 = vector.shape_cast %broadcast_in_dim3A_7 : vector<16xf32> to vector<16xf32>
      tpu.vector_store %arg9[%swap3A_569], %swap3A_572 {strides = array<i32>} : memref<1024xf32, #tpu.memory_space<vmem>>, vector<16xf32>,
      %swap3A_573 = arith.constant 176 : index
      %swap3A_574 = tpu.vector_load %arg9[%swap3A_573] {strides = array<i32>} : memref<1024xf32, #tpu.memory_space<vmem>>, vector<16xf32>,
      %swap3A_575 = vector.shape_cast %swap3A_574 : vector<16xf32> to vector<16xf32>
      %swap3A_576 = vector.shape_cast %broadcast_in_dim3A_7 : vector<16xf32> to vector<16xf32>
      tpu.vector_store %arg9[%swap3A_573], %swap3A_576 {strides = array<i32>} : memref<1024xf32, #tpu.memory_space<vmem>>, vector<16xf32>,
      %swap3A_577 = arith.constant 192 : index
      %swap3A_578 = tpu.vector_load %arg9[%swap3A_577] {strides = array<i32>} : memref<1024xf32, #tpu.memory_space<vmem>>, vector<16xf32>,
      %swap3A_579 = vector.shape_cast %swap3A_578 : vector<16xf32> to vector<16xf32>
      %swap3A_580 = vector.shape_cast %broadcast_in_dim3A_7 : vector<16xf32> to vector<16xf32>
      tpu.vector_store %arg9[%swap3A_577], %swap3A_580 {strides = array<i32>} : memref<1024xf32, #tpu.memory_space<vmem>>, vector<16xf32>,
      %swap3A_581 = arith.constant 208 : index
      %swap3A_582 = tpu.vector_load %arg9[%swap3A_581] {strides = array<i32>} : memref<1024xf32, #tpu.memory_space<vmem>>, vector<16xf32>,
      %swap3A_583 = vector.shape_cast %swap3A_582 : vector<16xf32> to vector<16xf32>
      %swap3A_584 = vector.shape_cast %broadcast_in_dim3A_7 : vector<16xf32> to vector<16xf32>
      tpu.vector_store %arg9[%swap3A_581], %swap3A_584 {strides = array<i32>} : memref<1024xf32, #tpu.memory_space<vmem>>, vector<16xf32>,
      %swap3A_585 = arith.constant 224 : index
      %swap3A_586 = tpu.vector_load %arg9[%swap3A_585] {strides = array<i32>} : memref<1024xf32, #tpu.memory_space<vmem>>, vector<16xf32>,
      %swap3A_587 = vector.shape_cast %swap3A_586 : vector<16xf32> to vector<16xf32>
      %swap3A_588 = vector.shape_cast %broadcast_in_dim3A_7 : vector<16xf32> to vector<16xf32>
      tpu.vector_store %arg9[%swap3A_585], %swap3A_588 {strides = array<i32>} : memref<1024xf32, #tpu.memory_space<vmem>>, vector<16xf32>,
      %swap3A_589 = arith.constant 240 : index
      %swap3A_590 = tpu.vector_load %arg9[%swap3A_589] {strides = array<i32>} : memref<1024xf32, #tpu.memory_space<vmem>>, vector<16xf32>,
      %swap3A_591 = vector.shape_cast %swap3A_590 : vector<16xf32> to vector<16xf32>
      %swap3A_592 = vector.shape_cast %broadcast_in_dim3A_7 : vector<16xf32> to vector<16xf32>
      tpu.vector_store %arg9[%swap3A_589], %swap3A_592 {strides = array<i32>} : memref<1024xf32, #tpu.memory_space<vmem>>, vector<16xf32>,
      %swap3A_593 = arith.constant 256 : index
      %swap3A_594 = tpu.vector_load %arg9[%swap3A_593] {strides = array<i32>} : memref<1024xf32, #tpu.memory_space<vmem>>, vector<16xf32>,
      %swap3A_595 = vector.shape_cast %swap3A_594 : vector<16xf32> to vector<16xf32>
      %swap3A_596 = vector.shape_cast %broadcast_in_dim3A_7 : vector<16xf32> to vector<16xf32>
      tpu.vector_store %arg9[%swap3A_593], %swap3A_596 {strides = array<i32>} : memref<1024xf32, #tpu.memory_space<vmem>>, vector<16xf32>,
      %swap3A_597 = arith.constant 272 : index
      %swap3A_598 = tpu.vector_load %arg9[%swap3A_597] {strides = array<i32>} : memref<1024xf32, #tpu.memory_space<vmem>>, vector<16xf32>,
      %swap3A_599 = vector.shape_cast %swap3A_598 : vector<16xf32> to vector<16xf32>
      %swap3A_600 = vector.shape_cast %broadcast_in_dim3A_7 : vector<16xf32> to vector<16xf32>
      tpu.vector_store %arg9[%swap3A_597], %swap3A_600 {strides = array<i32>} : memref<1024xf32, #tpu.memory_space<vmem>>, vector<16xf32>,
      %swap3A_601 = arith.constant 288 : index
      %swap3A_602 = tpu.vector_load %arg9[%swap3A_601] {strides = array<i32>} : memref<1024xf32, #tpu.memory_space<vmem>>, vector<16xf32>,
      %swap3A_603 = vector.shape_cast %swap3A_602 : vector<16xf32> to vector<16xf32>
      %swap3A_604 = vector.shape_cast %broadcast_in_dim3A_7 : vector<16xf32> to vector<16xf32>
      tpu.vector_store %arg9[%swap3A_601], %swap3A_604 {strides = array<i32>} : memref<1024xf32, #tpu.memory_space<vmem>>, vector<16xf32>,
      %swap3A_605 = arith.constant 304 : index
      %swap3A_606 = tpu.vector_load %arg9[%swap3A_605] {strides = array<i32>} : memref<1024xf32, #tpu.memory_space<vmem>>, vector<16xf32>,
      %swap3A_607 = vector.shape_cast %swap3A_606 : vector<16xf32> to vector<16xf32>
      %swap3A_608 = vector.shape_cast %broadcast_in_dim3A_7 : vector<16xf32> to vector<16xf32>
      tpu.vector_store %arg9[%swap3A_605], %swap3A_608 {strides = array<i32>} : memref<1024xf32, #tpu.memory_space<vmem>>, vector<16xf32>,
      %swap3A_609 = arith.constant 320 : index
      %swap3A_610 = tpu.vector_load %arg9[%swap3A_609] {strides = array<i32>} : memref<1024xf32, #tpu.memory_space<vmem>>, vector<16xf32>,
      %swap3A_611 = vector.shape_cast %swap3A_610 : vector<16xf32> to vector<16xf32>
      %swap3A_612 = vector.shape_cast %broadcast_in_dim3A_7 : vector<16xf32> to vector<16xf32>
      tpu.vector_store %arg9[%swap3A_609], %swap3A_612 {strides = array<i32>} : memref<1024xf32, #tpu.memory_space<vmem>>, vector<16xf32>,
      %swap3A_613 = arith.constant 336 : index
      %swap3A_614 = tpu.vector_load %arg9[%swap3A_613] {strides = array<i32>} : memref<1024xf32, #tpu.memory_space<vmem>>, vector<16xf32>,
      %swap3A_615 = vector.shape_cast %swap3A_614 : vector<16xf32> to vector<16xf32>
      %swap3A_616 = vector.shape_cast %broadcast_in_dim3A_7 : vector<16xf32> to vector<16xf32>
      tpu.vector_store %arg9[%swap3A_613], %swap3A_616 {strides = array<i32>} : memref<1024xf32, #tpu.memory_space<vmem>>, vector<16xf32>,
      %swap3A_617 = arith.constant 352 : index
      %swap3A_618 = tpu.vector_load %arg9[%swap3A_617] {strides = array<i32>} : memref<1024xf32, #tpu.memory_space<vmem>>, vector<16xf32>,
      %swap3A_619 = vector.shape_cast %swap3A_618 : vector<16xf32> to vector<16xf32>
      %swap3A_620 = vector.shape_cast %broadcast_in_dim3A_7 : vector<16xf32> to vector<16xf32>
      tpu.vector_store %arg9[%swap3A_617], %swap3A_620 {strides = array<i32>} : memref<1024xf32, #tpu.memory_space<vmem>>, vector<16xf32>,
      %swap3A_621 = arith.constant 368 : index
      %swap3A_622 = tpu.vector_load %arg9[%swap3A_621] {strides = array<i32>} : memref<1024xf32, #tpu.memory_space<vmem>>, vector<16xf32>,
      %swap3A_623 = vector.shape_cast %swap3A_622 : vector<16xf32> to vector<16xf32>
      %swap3A_624 = vector.shape_cast %broadcast_in_dim3A_7 : vector<16xf32> to vector<16xf32>
      tpu.vector_store %arg9[%swap3A_621], %swap3A_624 {strides = array<i32>} : memref<1024xf32, #tpu.memory_space<vmem>>, vector<16xf32>,
      %swap3A_625 = arith.constant 384 : index
      %swap3A_626 = tpu.vector_load %arg9[%swap3A_625] {strides = array<i32>} : memref<1024xf32, #tpu.memory_space<vmem>>, vector<16xf32>,
      %swap3A_627 = vector.shape_cast %swap3A_626 : vector<16xf32> to vector<16xf32>
      %swap3A_628 = vector.shape_cast %broadcast_in_dim3A_7 : vector<16xf32> to vector<16xf32>
      tpu.vector_store %arg9[%swap3A_625], %swap3A_628 {strides = array<i32>} : memref<1024xf32, #tpu.memory_space<vmem>>, vector<16xf32>,
      %swap3A_629 = arith.constant 400 : index
      %swap3A_630 = tpu.vector_load %arg9[%swap3A_629] {strides = array<i32>} : memref<1024xf32, #tpu.memory_space<vmem>>, vector<16xf32>,
      %swap3A_631 = vector.shape_cast %swap3A_630 : vector<16xf32> to vector<16xf32>
      %swap3A_632 = vector.shape_cast %broadcast_in_dim3A_7 : vector<16xf32> to vector<16xf32>
      tpu.vector_store %arg9[%swap3A_629], %swap3A_632 {strides = array<i32>} : memref<1024xf32, #tpu.memory_space<vmem>>, vector<16xf32>,
      %swap3A_633 = arith.constant 416 : index
      %swap3A_634 = tpu.vector_load %arg9[%swap3A_633] {strides = array<i32>} : memref<1024xf32, #tpu.memory_space<vmem>>, vector<16xf32>,
      %swap3A_635 = vector.shape_cast %swap3A_634 : vector<16xf32> to vector<16xf32>
      %swap3A_636 = vector.shape_cast %broadcast_in_dim3A_7 : vector<16xf32> to vector<16xf32>
      tpu.vector_store %arg9[%swap3A_633], %swap3A_636 {strides = array<i32>} : memref<1024xf32, #tpu.memory_space<vmem>>, vector<16xf32>,
      %swap3A_637 = arith.constant 432 : index
      %swap3A_638 = tpu.vector_load %arg9[%swap3A_637] {strides = array<i32>} : memref<1024xf32, #tpu.memory_space<vmem>>, vector<16xf32>,
      %swap3A_639 = vector.shape_cast %swap3A_638 : vector<16xf32> to vector<16xf32>
      %swap3A_640 = vector.shape_cast %broadcast_in_dim3A_7 : vector<16xf32> to vector<16xf32>
      tpu.vector_store %arg9[%swap3A_637], %swap3A_640 {strides = array<i32>} : memref<1024xf32, #tpu.memory_space<vmem>>, vector<16xf32>,
      %swap3A_641 = arith.constant 448 : index
      %swap3A_642 = tpu.vector_load %arg9[%swap3A_641] {strides = array<i32>} : memref<1024xf32, #tpu.memory_space<vmem>>, vector<16xf32>,
      %swap3A_643 = vector.shape_cast %swap3A_642 : vector<16xf32> to vector<16xf32>
      %swap3A_644 = vector.shape_cast %broadcast_in_dim3A_7 : vector<16xf32> to vector<16xf32>
      tpu.vector_store %arg9[%swap3A_641], %swap3A_644 {strides = array<i32>} : memref<1024xf32, #tpu.memory_space<vmem>>, vector<16xf32>,
      %swap3A_645 = arith.constant 464 : index
      %swap3A_646 = tpu.vector_load %arg9[%swap3A_645] {strides = array<i32>} : memref<1024xf32, #tpu.memory_space<vmem>>, vector<16xf32>,
      %swap3A_647 = vector.shape_cast %swap3A_646 : vector<16xf32> to vector<16xf32>
      %swap3A_648 = vector.shape_cast %broadcast_in_dim3A_7 : vector<16xf32> to vector<16xf32>
      tpu.vector_store %arg9[%swap3A_645], %swap3A_648 {strides = array<i32>} : memref<1024xf32, #tpu.memory_space<vmem>>, vector<16xf32>,
      %swap3A_649 = arith.constant 480 : index
      %swap3A_650 = tpu.vector_load %arg9[%swap3A_649] {strides = array<i32>} : memref<1024xf32, #tpu.memory_space<vmem>>, vector<16xf32>,
      %swap3A_651 = vector.shape_cast %swap3A_650 : vector<16xf32> to vector<16xf32>
      %swap3A_652 = vector.shape_cast %broadcast_in_dim3A_7 : vector<16xf32> to vector<16xf32>
      tpu.vector_store %arg9[%swap3A_649], %swap3A_652 {strides = array<i32>} : memref<1024xf32, #tpu.memory_space<vmem>>, vector<16xf32>,
      %swap3A_653 = arith.constant 496 : index
      %swap3A_654 = tpu.vector_load %arg9[%swap3A_653] {strides = array<i32>} : memref<1024xf32, #tpu.memory_space<vmem>>, vector<16xf32>,
      %swap3A_655 = vector.shape_cast %swap3A_654 : vector<16xf32> to vector<16xf32>
      %swap3A_656 = vector.shape_cast %broadcast_in_dim3A_7 : vector<16xf32> to vector<16xf32>
      tpu.vector_store %arg9[%swap3A_653], %swap3A_656 {strides = array<i32>} : memref<1024xf32, #tpu.memory_space<vmem>>, vector<16xf32>,
      %swap3A_657 = arith.constant 512 : index
      %swap3A_658 = tpu.vector_load %arg9[%swap3A_657] {strides = array<i32>} : memref<1024xf32, #tpu.memory_space<vmem>>, vector<16xf32>,
      %swap3A_659 = vector.shape_cast %swap3A_658 : vector<16xf32> to vector<16xf32>
      %swap3A_660 = vector.shape_cast %broadcast_in_dim3A_7 : vector<16xf32> to vector<16xf32>
      tpu.vector_store %arg9[%swap3A_657], %swap3A_660 {strides = array<i32>} : memref<1024xf32, #tpu.memory_space<vmem>>, vector<16xf32>,
      %swap3A_661 = arith.constant 528 : index
      %swap3A_662 = tpu.vector_load %arg9[%swap3A_661] {strides = array<i32>} : memref<1024xf32, #tpu.memory_space<vmem>>, vector<16xf32>,
      %swap3A_663 = vector.shape_cast %swap3A_662 : vector<16xf32> to vector<16xf32>
      %swap3A_664 = vector.shape_cast %broadcast_in_dim3A_7 : vector<16xf32> to vector<16xf32>
      tpu.vector_store %arg9[%swap3A_661], %swap3A_664 {strides = array<i32>} : memref<1024xf32, #tpu.memory_space<vmem>>, vector<16xf32>,
      %swap3A_665 = arith.constant 544 : index
      %swap3A_666 = tpu.vector_load %arg9[%swap3A_665] {strides = array<i32>} : memref<1024xf32, #tpu.memory_space<vmem>>, vector<16xf32>,
      %swap3A_667 = vector.shape_cast %swap3A_666 : vector<16xf32> to vector<16xf32>
      %swap3A_668 = vector.shape_cast %broadcast_in_dim3A_7 : vector<16xf32> to vector<16xf32>
      tpu.vector_store %arg9[%swap3A_665], %swap3A_668 {strides = array<i32>} : memref<1024xf32, #tpu.memory_space<vmem>>, vector<16xf32>,
      %swap3A_669 = arith.constant 560 : index
      %swap3A_670 = tpu.vector_load %arg9[%swap3A_669] {strides = array<i32>} : memref<1024xf32, #tpu.memory_space<vmem>>, vector<16xf32>,
      %swap3A_671 = vector.shape_cast %swap3A_670 : vector<16xf32> to vector<16xf32>
      %swap3A_672 = vector.shape_cast %broadcast_in_dim3A_7 : vector<16xf32> to vector<16xf32>
      tpu.vector_store %arg9[%swap3A_669], %swap3A_672 {strides = array<i32>} : memref<1024xf32, #tpu.memory_space<vmem>>, vector<16xf32>,
      %swap3A_673 = arith.constant 576 : index
      %swap3A_674 = tpu.vector_load %arg9[%swap3A_673] {strides = array<i32>} : memref<1024xf32, #tpu.memory_space<vmem>>, vector<16xf32>,
      %swap3A_675 = vector.shape_cast %swap3A_674 : vector<16xf32> to vector<16xf32>
      %swap3A_676 = vector.shape_cast %broadcast_in_dim3A_7 : vector<16xf32> to vector<16xf32>
      tpu.vector_store %arg9[%swap3A_673], %swap3A_676 {strides = array<i32>} : memref<1024xf32, #tpu.memory_space<vmem>>, vector<16xf32>,
      %swap3A_677 = arith.constant 592 : index
      %swap3A_678 = tpu.vector_load %arg9[%swap3A_677] {strides = array<i32>} : memref<1024xf32, #tpu.memory_space<vmem>>, vector<16xf32>,
      %swap3A_679 = vector.shape_cast %swap3A_678 : vector<16xf32> to vector<16xf32>
      %swap3A_680 = vector.shape_cast %broadcast_in_dim3A_7 : vector<16xf32> to vector<16xf32>
      tpu.vector_store %arg9[%swap3A_677], %swap3A_680 {strides = array<i32>} : memref<1024xf32, #tpu.memory_space<vmem>>, vector<16xf32>,
      %swap3A_681 = arith.constant 608 : index
      %swap3A_682 = tpu.vector_load %arg9[%swap3A_681] {strides = array<i32>} : memref<1024xf32, #tpu.memory_space<vmem>>, vector<16xf32>,
      %swap3A_683 = vector.shape_cast %swap3A_682 : vector<16xf32> to vector<16xf32>
      %swap3A_684 = vector.shape_cast %broadcast_in_dim3A_7 : vector<16xf32> to vector<16xf32>
      tpu.vector_store %arg9[%swap3A_681], %swap3A_684 {strides = array<i32>} : memref<1024xf32, #tpu.memory_space<vmem>>, vector<16xf32>,
      %swap3A_685 = arith.constant 624 : index
      %swap3A_686 = tpu.vector_load %arg9[%swap3A_685] {strides = array<i32>} : memref<1024xf32, #tpu.memory_space<vmem>>, vector<16xf32>,
      %swap3A_687 = vector.shape_cast %swap3A_686 : vector<16xf32> to vector<16xf32>
      %swap3A_688 = vector.shape_cast %broadcast_in_dim3A_7 : vector<16xf32> to vector<16xf32>
      tpu.vector_store %arg9[%swap3A_685], %swap3A_688 {strides = array<i32>} : memref<1024xf32, #tpu.memory_space<vmem>>, vector<16xf32>,
      %swap3A_689 = arith.constant 640 : index
      %swap3A_690 = tpu.vector_load %arg9[%swap3A_689] {strides = array<i32>} : memref<1024xf32, #tpu.memory_space<vmem>>, vector<16xf32>,
      %swap3A_691 = vector.shape_cast %swap3A_690 : vector<16xf32> to vector<16xf32>
      %swap3A_692 = vector.shape_cast %broadcast_in_dim3A_7 : vector<16xf32> to vector<16xf32>
      tpu.vector_store %arg9[%swap3A_689], %swap3A_692 {strides = array<i32>} : memref<1024xf32, #tpu.memory_space<vmem>>, vector<16xf32>,
      %swap3A_693 = arith.constant 656 : index
      %swap3A_694 = tpu.vector_load %arg9[%swap3A_693] {strides = array<i32>} : memref<1024xf32, #tpu.memory_space<vmem>>, vector<16xf32>,
      %swap3A_695 = vector.shape_cast %swap3A_694 : vector<16xf32> to vector<16xf32>
      %swap3A_696 = vector.shape_cast %broadcast_in_dim3A_7 : vector<16xf32> to vector<16xf32>
      tpu.vector_store %arg9[%swap3A_693], %swap3A_696 {strides = array<i32>} : memref<1024xf32, #tpu.memory_space<vmem>>, vector<16xf32>,
      %swap3A_697 = arith.constant 672 : index
      %swap3A_698 = tpu.vector_load %arg9[%swap3A_697] {strides = array<i32>} : memref<1024xf32, #tpu.memory_space<vmem>>, vector<16xf32>,
      %swap3A_699 = vector.shape_cast %swap3A_698 : vector<16xf32> to vector<16xf32>
      %swap3A_700 = vector.shape_cast %broadcast_in_dim3A_7 : vector<16xf32> to vector<16xf32>
      tpu.vector_store %arg9[%swap3A_697], %swap3A_700 {strides = array<i32>} : memref<1024xf32, #tpu.memory_space<vmem>>, vector<16xf32>,
      %swap3A_701 = arith.constant 688 : index
      %swap3A_702 = tpu.vector_load %arg9[%swap3A_701] {strides = array<i32>} : memref<1024xf32, #tpu.memory_space<vmem>>, vector<16xf32>,
      %swap3A_703 = vector.shape_cast %swap3A_702 : vector<16xf32> to vector<16xf32>
      %swap3A_704 = vector.shape_cast %broadcast_in_dim3A_7 : vector<16xf32> to vector<16xf32>
      tpu.vector_store %arg9[%swap3A_701], %swap3A_704 {strides = array<i32>} : memref<1024xf32, #tpu.memory_space<vmem>>, vector<16xf32>,
      %swap3A_705 = arith.constant 704 : index
      %swap3A_706 = tpu.vector_load %arg9[%swap3A_705] {strides = array<i32>} : memref<1024xf32, #tpu.memory_space<vmem>>, vector<16xf32>,
      %swap3A_707 = vector.shape_cast %swap3A_706 : vector<16xf32> to vector<16xf32>
      %swap3A_708 = vector.shape_cast %broadcast_in_dim3A_7 : vector<16xf32> to vector<16xf32>
      tpu.vector_store %arg9[%swap3A_705], %swap3A_708 {strides = array<i32>} : memref<1024xf32, #tpu.memory_space<vmem>>, vector<16xf32>,
      %swap3A_709 = arith.constant 720 : index
      %swap3A_710 = tpu.vector_load %arg9[%swap3A_709] {strides = array<i32>} : memref<1024xf32, #tpu.memory_space<vmem>>, vector<16xf32>,
      %swap3A_711 = vector.shape_cast %swap3A_710 : vector<16xf32> to vector<16xf32>
      %swap3A_712 = vector.shape_cast %broadcast_in_dim3A_7 : vector<16xf32> to vector<16xf32>
      tpu.vector_store %arg9[%swap3A_709], %swap3A_712 {strides = array<i32>} : memref<1024xf32, #tpu.memory_space<vmem>>, vector<16xf32>,
      %swap3A_713 = arith.constant 736 : index
      %swap3A_714 = tpu.vector_load %arg9[%swap3A_713] {strides = array<i32>} : memref<1024xf32, #tpu.memory_space<vmem>>, vector<16xf32>,
      %swap3A_715 = vector.shape_cast %swap3A_714 : vector<16xf32> to vector<16xf32>
      %swap3A_716 = vector.shape_cast %broadcast_in_dim3A_7 : vector<16xf32> to vector<16xf32>
      tpu.vector_store %arg9[%swap3A_713], %swap3A_716 {strides = array<i32>} : memref<1024xf32, #tpu.memory_space<vmem>>, vector<16xf32>,
      %swap3A_717 = arith.constant 752 : index
      %swap3A_718 = tpu.vector_load %arg9[%swap3A_717] {strides = array<i32>} : memref<1024xf32, #tpu.memory_space<vmem>>, vector<16xf32>,
      %swap3A_719 = vector.shape_cast %swap3A_718 : vector<16xf32> to vector<16xf32>
      %swap3A_720 = vector.shape_cast %broadcast_in_dim3A_7 : vector<16xf32> to vector<16xf32>
      tpu.vector_store %arg9[%swap3A_717], %swap3A_720 {strides = array<i32>} : memref<1024xf32, #tpu.memory_space<vmem>>, vector<16xf32>,
      %swap3A_721 = arith.constant 768 : index
      %swap3A_722 = tpu.vector_load %arg9[%swap3A_721] {strides = array<i32>} : memref<1024xf32, #tpu.memory_space<vmem>>, vector<16xf32>,
      %swap3A_723 = vector.shape_cast %swap3A_722 : vector<16xf32> to vector<16xf32>
      %swap3A_724 = vector.shape_cast %broadcast_in_dim3A_7 : vector<16xf32> to vector<16xf32>
      tpu.vector_store %arg9[%swap3A_721], %swap3A_724 {strides = array<i32>} : memref<1024xf32, #tpu.memory_space<vmem>>, vector<16xf32>,
      %swap3A_725 = arith.constant 784 : index
      %swap3A_726 = tpu.vector_load %arg9[%swap3A_725] {strides = array<i32>} : memref<1024xf32, #tpu.memory_space<vmem>>, vector<16xf32>,
      %swap3A_727 = vector.shape_cast %swap3A_726 : vector<16xf32> to vector<16xf32>
      %swap3A_728 = vector.shape_cast %broadcast_in_dim3A_7 : vector<16xf32> to vector<16xf32>
      tpu.vector_store %arg9[%swap3A_725], %swap3A_728 {strides = array<i32>} : memref<1024xf32, #tpu.memory_space<vmem>>, vector<16xf32>,
      %swap3A_729 = arith.constant 800 : index
      %swap3A_730 = tpu.vector_load %arg9[%swap3A_729] {strides = array<i32>} : memref<1024xf32, #tpu.memory_space<vmem>>, vector<16xf32>,
      %swap3A_731 = vector.shape_cast %swap3A_730 : vector<16xf32> to vector<16xf32>
      %swap3A_732 = vector.shape_cast %broadcast_in_dim3A_7 : vector<16xf32> to vector<16xf32>
      tpu.vector_store %arg9[%swap3A_729], %swap3A_732 {strides = array<i32>} : memref<1024xf32, #tpu.memory_space<vmem>>, vector<16xf32>,
      %swap3A_733 = arith.constant 816 : index
      %swap3A_734 = tpu.vector_load %arg9[%swap3A_733] {strides = array<i32>} : memref<1024xf32, #tpu.memory_space<vmem>>, vector<16xf32>,
      %swap3A_735 = vector.shape_cast %swap3A_734 : vector<16xf32> to vector<16xf32>
      %swap3A_736 = vector.shape_cast %broadcast_in_dim3A_7 : vector<16xf32> to vector<16xf32>
      tpu.vector_store %arg9[%swap3A_733], %swap3A_736 {strides = array<i32>} : memref<1024xf32, #tpu.memory_space<vmem>>, vector<16xf32>,
      %swap3A_737 = arith.constant 832 : index
      %swap3A_738 = tpu.vector_load %arg9[%swap3A_737] {strides = array<i32>} : memref<1024xf32, #tpu.memory_space<vmem>>, vector<16xf32>,
      %swap3A_739 = vector.shape_cast %swap3A_738 : vector<16xf32> to vector<16xf32>
      %swap3A_740 = vector.shape_cast %broadcast_in_dim3A_7 : vector<16xf32> to vector<16xf32>
      tpu.vector_store %arg9[%swap3A_737], %swap3A_740 {strides = array<i32>} : memref<1024xf32, #tpu.memory_space<vmem>>, vector<16xf32>,
      %swap3A_741 = arith.constant 848 : index
      %swap3A_742 = tpu.vector_load %arg9[%swap3A_741] {strides = array<i32>} : memref<1024xf32, #tpu.memory_space<vmem>>, vector<16xf32>,
      %swap3A_743 = vector.shape_cast %swap3A_742 : vector<16xf32> to vector<16xf32>
      %swap3A_744 = vector.shape_cast %broadcast_in_dim3A_7 : vector<16xf32> to vector<16xf32>
      tpu.vector_store %arg9[%swap3A_741], %swap3A_744 {strides = array<i32>} : memref<1024xf32, #tpu.memory_space<vmem>>, vector<16xf32>,
      %swap3A_745 = arith.constant 864 : index
      %swap3A_746 = tpu.vector_load %arg9[%swap3A_745] {strides = array<i32>} : memref<1024xf32, #tpu.memory_space<vmem>>, vector<16xf32>,
      %swap3A_747 = vector.shape_cast %swap3A_746 : vector<16xf32> to vector<16xf32>
      %swap3A_748 = vector.shape_cast %broadcast_in_dim3A_7 : vector<16xf32> to vector<16xf32>
      tpu.vector_store %arg9[%swap3A_745], %swap3A_748 {strides = array<i32>} : memref<1024xf32, #tpu.memory_space<vmem>>, vector<16xf32>,
      %swap3A_749 = arith.constant 880 : index
      %swap3A_750 = tpu.vector_load %arg9[%swap3A_749] {strides = array<i32>} : memref<1024xf32, #tpu.memory_space<vmem>>, vector<16xf32>,
      %swap3A_751 = vector.shape_cast %swap3A_750 : vector<16xf32> to vector<16xf32>
      %swap3A_752 = vector.shape_cast %broadcast_in_dim3A_7 : vector<16xf32> to vector<16xf32>
      tpu.vector_store %arg9[%swap3A_749], %swap3A_752 {strides = array<i32>} : memref<1024xf32, #tpu.memory_space<vmem>>, vector<16xf32>,
      %swap3A_753 = arith.constant 896 : index
      %swap3A_754 = tpu.vector_load %arg9[%swap3A_753] {strides = array<i32>} : memref<1024xf32, #tpu.memory_space<vmem>>, vector<16xf32>,
      %swap3A_755 = vector.shape_cast %swap3A_754 : vector<16xf32> to vector<16xf32>
      %swap3A_756 = vector.shape_cast %broadcast_in_dim3A_7 : vector<16xf32> to vector<16xf32>
      tpu.vector_store %arg9[%swap3A_753], %swap3A_756 {strides = array<i32>} : memref<1024xf32, #tpu.memory_space<vmem>>, vector<16xf32>,
      %swap3A_757 = arith.constant 912 : index
      %swap3A_758 = tpu.vector_load %arg9[%swap3A_757] {strides = array<i32>} : memref<1024xf32, #tpu.memory_space<vmem>>, vector<16xf32>,
      %swap3A_759 = vector.shape_cast %swap3A_758 : vector<16xf32> to vector<16xf32>
      %swap3A_760 = vector.shape_cast %broadcast_in_dim3A_7 : vector<16xf32> to vector<16xf32>
      tpu.vector_store %arg9[%swap3A_757], %swap3A_760 {strides = array<i32>} : memref<1024xf32, #tpu.memory_space<vmem>>, vector<16xf32>,
      %swap3A_761 = arith.constant 928 : index
      %swap3A_762 = tpu.vector_load %arg9[%swap3A_761] {strides = array<i32>} : memref<1024xf32, #tpu.memory_space<vmem>>, vector<16xf32>,
      %swap3A_763 = vector.shape_cast %swap3A_762 : vector<16xf32> to vector<16xf32>
      %swap3A_764 = vector.shape_cast %broadcast_in_dim3A_7 : vector<16xf32> to vector<16xf32>
      tpu.vector_store %arg9[%swap3A_761], %swap3A_764 {strides = array<i32>} : memref<1024xf32, #tpu.memory_space<vmem>>, vector<16xf32>,
      %swap3A_765 = arith.constant 944 : index
      %swap3A_766 = tpu.vector_load %arg9[%swap3A_765] {strides = array<i32>} : memref<1024xf32, #tpu.memory_space<vmem>>, vector<16xf32>,
      %swap3A_767 = vector.shape_cast %swap3A_766 : vector<16xf32> to vector<16xf32>
      %swap3A_768 = vector.shape_cast %broadcast_in_dim3A_7 : vector<16xf32> to vector<16xf32>
      tpu.vector_store %arg9[%swap3A_765], %swap3A_768 {strides = array<i32>} : memref<1024xf32, #tpu.memory_space<vmem>>, vector<16xf32>,
      %swap3A_769 = arith.constant 960 : index
      %swap3A_770 = tpu.vector_load %arg9[%swap3A_769] {strides = array<i32>} : memref<1024xf32, #tpu.memory_space<vmem>>, vector<16xf32>,
      %swap3A_771 = vector.shape_cast %swap3A_770 : vector<16xf32> to vector<16xf32>
      %swap3A_772 = vector.shape_cast %broadcast_in_dim3A_7 : vector<16xf32> to vector<16xf32>
      tpu.vector_store %arg9[%swap3A_769], %swap3A_772 {strides = array<i32>} : memref<1024xf32, #tpu.memory_space<vmem>>, vector<16xf32>,
      %swap3A_773 = arith.constant 976 : index
      %swap3A_774 = tpu.vector_load %arg9[%swap3A_773] {strides = array<i32>} : memref<1024xf32, #tpu.memory_space<vmem>>, vector<16xf32>,
      %swap3A_775 = vector.shape_cast %swap3A_774 : vector<16xf32> to vector<16xf32>
      %swap3A_776 = vector.shape_cast %broadcast_in_dim3A_7 : vector<16xf32> to vector<16xf32>
      tpu.vector_store %arg9[%swap3A_773], %swap3A_776 {strides = array<i32>} : memref<1024xf32, #tpu.memory_space<vmem>>, vector<16xf32>,
      %swap3A_777 = arith.constant 992 : index
      %swap3A_778 = tpu.vector_load %arg9[%swap3A_777] {strides = array<i32>} : memref<1024xf32, #tpu.memory_space<vmem>>, vector<16xf32>,
      %swap3A_779 = vector.shape_cast %swap3A_778 : vector<16xf32> to vector<16xf32>
      %swap3A_780 = vector.shape_cast %broadcast_in_dim3A_7 : vector<16xf32> to vector<16xf32>
      tpu.vector_store %arg9[%swap3A_777], %swap3A_780 {strides = array<i32>} : memref<1024xf32, #tpu.memory_space<vmem>>, vector<16xf32>,
      %swap3A_781 = arith.constant 1008 : index
      %swap3A_782 = tpu.vector_load %arg9[%swap3A_781] {strides = array<i32>} : memref<1024xf32, #tpu.memory_space<vmem>>, vector<16xf32>,
      %swap3A_783 = vector.shape_cast %swap3A_782 : vector<16xf32> to vector<16xf32>
      %swap3A_784 = vector.shape_cast %broadcast_in_dim3A_7 : vector<16xf32> to vector<16xf32>
      tpu.vector_store %arg9[%swap3A_781], %swap3A_784 {strides = array<i32>} : memref<1024xf32, #tpu.memory_space<vmem>>, vector<16xf32>,
      "tpu.region"() ({
        %run_scoped3A = tpu.sem_alloc : memref<!tpu.dma_semaphore, #tpu.memory_space<semaphore_mem>>
        tpu.enqueue_dma source(%arg9 : memref<1024xf32, #tpu.memory_space<vmem>>) target(%arg10 : memref<1024xf32, #tpu.memory_space<vmem_shared>>) target_semaphore(%run_scoped3A : memref<!tpu.dma_semaphore, #tpu.memory_space<semaphore_mem>>)
        tpu.wait_dma2 semaphore(%run_scoped3A : memref<!tpu.dma_semaphore, #tpu.memory_space<semaphore_mem>>) src(%arg9 : memref<1024xf32, #tpu.memory_space<vmem>>) dst(%arg10 : memref<1024xf32, #tpu.memory_space<vmem_shared>>)
        tpu.yield
      }) : () -> ()
    } else {
    }
    %barrier3A = arith.constant 0 : index
    tpu.barrier barrier_id(%barrier3A)
    "tpu.region"() ({
      %run_scoped3A = tpu.sem_alloc : memref<!tpu.dma_semaphore, #tpu.memory_space<semaphore_mem>>
      %dma_start3A_529 = arith.constant 0 : i32
      %dma_start3A_530 = tpu.memref_slice %arg10[%dma_start3A_529] : memref<1024xf32, #tpu.memory_space<vmem_shared>> -> memref<1024xf32, #tpu.memory_space<vmem_shared>>
      tpu.enqueue_indirect_dma source(%arg8 : memref<2048xf32, #tpu.memory_space<vmem>>) target(%dma_start3A_530 : memref<1024xf32, #tpu.memory_space<vmem_shared>>) offsets(%arg6 : memref<2048xi32, #tpu.memory_space<vmem>>) semaphore(%run_scoped3A : memref<!tpu.dma_semaphore, #tpu.memory_space<semaphore_mem>>) {add = true}
      %dma_wait3A_531 = arith.constant 0 : i32
      %dma_wait3A_532 = tpu.memref_slice %arg10[%dma_wait3A_531] : memref<1024xf32, #tpu.memory_space<vmem_shared>> -> memref<1024xf32, #tpu.memory_space<vmem_shared>>
      tpu.wait_indirect_dma semaphore(%run_scoped3A : memref<!tpu.dma_semaphore, #tpu.memory_space<semaphore_mem>>) src(%arg8 : memref<2048xf32, #tpu.memory_space<vmem>>) dst(%dma_wait3A_532 : memref<1024xf32, #tpu.memory_space<vmem_shared>>)
      tpu.yield
    }) : () -> ()
    %barrier3A_523 = arith.constant 0 : index
    tpu.barrier barrier_id(%barrier3A_523)
    %eq3A_524 = arith.constant 0 : i32
    %eq3A_525 = arith.cmpi eq, %arg1, %eq3A_524 : i32
    %convert_element_type3A_526 = arith.extui %eq3A_525 : i1 to i32
    %cond3A_527 = arith.constant 0 : i32
    %cond3A_528 = arith.cmpi ne, %convert_element_type3A_526, %cond3A_527 : i32
    scf.if %cond3A_528 {
      "tpu.region"() ({
        %run_scoped3A = tpu.sem_alloc : memref<!tpu.dma_semaphore, #tpu.memory_space<semaphore_mem>>
        tpu.enqueue_dma source(%arg10 : memref<1024xf32, #tpu.memory_space<vmem_shared>>) target(%arg9 : memref<1024xf32, #tpu.memory_space<vmem>>) target_semaphore(%run_scoped3A : memref<!tpu.dma_semaphore, #tpu.memory_space<semaphore_mem>>)
        tpu.wait_dma2 semaphore(%run_scoped3A : memref<!tpu.dma_semaphore, #tpu.memory_space<semaphore_mem>>) src(%arg10 : memref<1024xf32, #tpu.memory_space<vmem_shared>>) dst(%arg9 : memref<1024xf32, #tpu.memory_space<vmem>>)
        tpu.yield
      }) : () -> ()
      "tpu.region"() ({
        %run_scoped3A = tpu.sem_alloc : memref<!tpu.dma_semaphore, #tpu.memory_space<semaphore_mem>>
        %dma_start3A_529 = arith.constant 0 : i32
        %dma_start3A_530 = tpu.memref_slice %arg5[%arg0, %dma_start3A_529] : memref<2x1024xf32, #tpu.memory_space<hbm>> -> memref<1x1024xf32, #tpu.memory_space<hbm>>
        %dma_start3A_531 = tpu.memref_squeeze %dma_start3A_530 : memref<1x1024xf32, #tpu.memory_space<hbm>> -> memref<1024xf32, #tpu.memory_space<hbm>>
        %dma_start3A_532 = arith.constant 0 : i32
        %dma_start3A_533 = tpu.memref_slice %arg5[%arg0, %dma_start3A_532] : memref<2x1024xf32, #tpu.memory_space<hbm>> -> memref<1x1024xf32, #tpu.memory_space<hbm>>
        %dma_start3A_534 = tpu.memref_squeeze %dma_start3A_533 : memref<1x1024xf32, #tpu.memory_space<hbm>> -> memref<1024xf32, #tpu.memory_space<hbm>>
        tpu.enqueue_dma source(%arg9 : memref<1024xf32, #tpu.memory_space<vmem>>) target(%dma_start3A_534 : memref<1024xf32, #tpu.memory_space<hbm>>) target_semaphore(%run_scoped3A : memref<!tpu.dma_semaphore, #tpu.memory_space<semaphore_mem>>)
        %dma_wait3A_535 = arith.constant 0 : i32
        %dma_wait3A_536 = tpu.memref_slice %arg5[%arg0, %dma_wait3A_535] : memref<2x1024xf32, #tpu.memory_space<hbm>> -> memref<1x1024xf32, #tpu.memory_space<hbm>>
        %dma_wait3A_537 = tpu.memref_squeeze %dma_wait3A_536 : memref<1x1024xf32, #tpu.memory_space<hbm>> -> memref<1024xf32, #tpu.memory_space<hbm>>
        %dma_wait3A_538 = arith.constant 0 : i32
        %dma_wait3A_539 = tpu.memref_slice %arg5[%arg0, %dma_wait3A_538] : memref<2x1024xf32, #tpu.memory_space<hbm>> -> memref<1x1024xf32, #tpu.memory_space<hbm>>
        %dma_wait3A_540 = tpu.memref_squeeze %dma_wait3A_539 : memref<1x1024xf32, #tpu.memory_space<hbm>> -> memref<1024xf32, #tpu.memory_space<hbm>>
        tpu.wait_dma2 semaphore(%run_scoped3A : memref<!tpu.dma_semaphore, #tpu.memory_space<semaphore_mem>>) src(%arg9 : memref<1024xf32, #tpu.memory_space<vmem>>) dst(%dma_wait3A_540 : memref<1024xf32, #tpu.memory_space<hbm>>)
        tpu.yield
      }) : () -> ()
    } else {
    }
    return
  }
}

module attributes {stable_mosaic.version = 14 : i64} {
  func.func @_perp_body(%arg0: memref<2x1024xf32, #tpu.memory_space<vmem>>, %arg1: memref<1x1xf32, #tpu.memory_space<vmem>>) attributes {dimension_semantics = [], scalar_prefetch = 0 : i64, scratch_operands = 0 : i64, tpu.core_type = #tpu.core_type<tc>} {
    %get3A = arith.constant 0 : index
    %get3A_0 = arith.constant 0 : index
    %get3A_1 = vector.load %arg0[%get3A, %get3A_0] : memref<2x1024xf32, #tpu.memory_space<vmem>>, vector<2x1024xf32>
    %reduce_sum3A = arith.constant dense<0.000000e+00> : vector<1024xf32>
    %reduce_sum3A_2 = vector.multi_reduction <add>, %get3A_1, %reduce_sum3A [0] : vector<2x1024xf32> to vector<1024xf32>
    %broadcast_in_dim3A = vector.shape_cast %reduce_sum3A_2 : vector<1024xf32> to vector<1x1024xf32>
    %div3A = arith.constant 6.553600e+04 : f32
    %div3A_3 = vector.broadcast %div3A : f32 to vector<1x1024xf32>
    %div3A_4 = arith.divf %broadcast_in_dim3A, %div3A_3 : vector<1x1024xf32>
    %add3A = arith.constant 1.000000e-10 : f32
    %add3A_5 = vector.broadcast %add3A : f32 to vector<1x1024xf32>
    %add3A_6 = arith.addf %div3A_4, %add3A_5 : vector<1x1024xf32>
    %log3A = math.log %add3A_6 : vector<1x1024xf32>
    %mul3A = arith.mulf %div3A_4, %log3A : vector<1x1024xf32>
    %reduce_sum3A_7 = arith.constant dense<0.000000e+00> : vector<1xf32>
    %reduce_sum3A_8 = vector.multi_reduction <add>, %mul3A, %reduce_sum3A_7 [1] : vector<1x1024xf32> to vector<1xf32>
    %broadcast_in_dim3A_9 = vector.shape_cast %reduce_sum3A_8 : vector<1xf32> to vector<1x1xf32>
    %neg3A = arith.constant 0.000000e+00 : f32
    %neg3A_10 = vector.broadcast %neg3A : f32 to vector<1x1xf32>
    %neg3A_11 = arith.subf %neg3A_10, %broadcast_in_dim3A_9 : vector<1x1xf32>
    %exp3A = math.exp %neg3A_11 : vector<1x1xf32>
    %swap3A = arith.constant 0 : index
    %swap3A_12 = arith.constant 0 : index
    %swap3A_13 = vector.load %arg1[%swap3A, %swap3A_12] : memref<1x1xf32, #tpu.memory_space<vmem>>, vector<1x1xf32>
    tpu.vector_store %arg1[%swap3A, %swap3A_12], %exp3A {strides = array<i32>} : memref<1x1xf32, #tpu.memory_space<vmem>>, vector<1x1xf32>,
    return
  }
}

module attributes {stable_mosaic.version = 14 : i64} {
  func.func @_tc_body(%arg0: i32, %arg1: memref<1024x256xf32, #tpu.memory_space<vmem>>, %arg2: memref<32x1024xf32, #tpu.memory_space<vmem>>, %arg3: memref<1x1024xf32, #tpu.memory_space<vmem>>, %arg4: memref<1x1024xf32, #tpu.memory_space<vmem>>, %arg5: memref<1024x8xi32, #tpu.memory_space<vmem>>, %arg6: memref<1x1xf32, #tpu.memory_space<vmem>>, %arg7: memref<1x1xf32, #tpu.memory_space<smem>>) attributes {dimension_semantics = [#tpu.dimension_semantics<arbitrary>], iteration_bounds = array<i64: 8>, scalar_prefetch = 0 : i64, scratch_operands = 1 : i64, tpu.core_type = #tpu.core_type<tc>, window_params = [{transform_indices = @transform_0, window_bounds = array<i64: 1024, 256>}, {pipeline_mode = #tpu.pipeline_mode<synchronous>, transform_indices = @transform_1, window_bounds = array<i64: 32, 1024>}, {pipeline_mode = #tpu.pipeline_mode<synchronous>, transform_indices = @transform_2, window_bounds = array<i64: 1, 1024>}, {pipeline_mode = #tpu.pipeline_mode<synchronous>, transform_indices = @transform_3, window_bounds = array<i64: 1, 1024>}, {transform_indices = @transform_4, window_bounds = array<i64: 1024, 8>}, {pipeline_mode = #tpu.pipeline_mode<synchronous>, transform_indices = @transform_5, window_bounds = array<i64: 1, 1>}]} {
    %get3A = arith.constant 0 : index
    %get3A_0 = arith.constant 0 : index
    %get3A_1 = vector.load %arg2[%get3A, %get3A_0] : memref<32x1024xf32, #tpu.memory_space<vmem>>, vector<32x1024xf32>
    %get3A_2 = arith.constant 0 : index
    %get3A_3 = arith.constant 0 : index
    %get3A_4 = vector.load %arg3[%get3A_2, %get3A_3] : memref<1x1024xf32, #tpu.memory_space<vmem>>, vector<1x1024xf32>
    %get3A_5 = arith.constant 0 : index
    %get3A_6 = arith.constant 0 : index
    %get3A_7 = vector.load %arg4[%get3A_5, %get3A_6] : memref<1x1024xf32, #tpu.memory_space<vmem>>, vector<1x1024xf32>
    %get3A_8 = arith.constant 0 : index
    %get3A_9 = arith.constant 0 : index
    %get3A_10 = vector.load %arg1[%get3A_8, %get3A_9] : memref<1024x256xf32, #tpu.memory_space<vmem>>, vector<1024x32xf32>
    %dot_general3A = arith.constant dense<0.000000e+00> : vector<1024x1024xf32>
    %dot_general3A_11 = tpu.matmul %get3A_10, %get3A_1, %dot_general3A {dimension_numbers = #tpu.dot_dimension_numbers<[1], [0], [0], [1], [0, 0, 1, 1], [], []>, transpose_lhs_hint = false} : vector<1024x32xf32>, vector<32x1024xf32>, vector<1024x1024xf32> -> vector<1024x1024xf32>
    %mul3A = arith.mulf %get3A_10, %get3A_10 : vector<1024x32xf32>
    %reduce_sum3A = arith.constant dense<0.000000e+00> : vector<1024xf32>
    %reduce_sum3A_12 = vector.multi_reduction <add>, %mul3A, %reduce_sum3A [1] : vector<1024x32xf32> to vector<1024xf32>
    %broadcast_in_dim3A = vector.shape_cast %reduce_sum3A_12 : vector<1024xf32> to vector<1024x1xf32>
    %add3A = vector.broadcast %broadcast_in_dim3A : vector<1024x1xf32> to vector<1024x1024xf32>
    %add3A_13 = vector.broadcast %get3A_4 : vector<1x1024xf32> to vector<1024x1024xf32>
    %add3A_14 = arith.addf %add3A, %add3A_13 : vector<1024x1024xf32>
    %sub3A = arith.subf %add3A_14, %dot_general3A_11 : vector<1024x1024xf32>
    %reduce_min3A = arith.constant dense<0x7F800000> : vector<1024xf32>
    %reduce_min3A_15 = vector.multi_reduction <minimumf>, %sub3A, %reduce_min3A [1] : vector<1024x1024xf32> to vector<1024xf32>
    %broadcast_in_dim3A_16 = vector.shape_cast %reduce_min3A_15 : vector<1024xf32> to vector<1024x1xf32>
    %eq3A = vector.broadcast %broadcast_in_dim3A_16 : vector<1024x1xf32> to vector<1024x1024xf32>
    %eq3A_17 = arith.cmpf oeq, %sub3A, %eq3A : vector<1024x1024xf32>
    %jit3A = arith.constant 1.024000e+03 : f32
    %broadcast_in_dim3A_18 = vector.shape_cast %get3A_7 : vector<1x1024xf32> to vector<1x1024xf32>
    %broadcast_in_dim3A_19 = vector.broadcast %broadcast_in_dim3A_18 : vector<1x1024xf32> to vector<1024x1024xf32>
    %broadcast_in_dim3A_20 = vector.broadcast %jit3A : f32 to vector<1024x1024xf32>
    %select_n3A = arith.select %eq3A_17, %broadcast_in_dim3A_19, %broadcast_in_dim3A_20 : vector<1024x1024xi1>, vector<1024x1024xf32>
    %reduce_min3A_21 = arith.constant dense<0x7F800000> : vector<1024xf32>
    %reduce_min3A_22 = vector.multi_reduction <minimumf>, %select_n3A, %reduce_min3A_21 [1] : vector<1024x1024xf32> to vector<1024xf32>
    %broadcast_in_dim3A_23 = vector.shape_cast %reduce_min3A_22 : vector<1024xf32> to vector<1024x1xf32>
    %convert_element_type3A = arith.fptosi %broadcast_in_dim3A_23 : vector<1024x1xf32> to vector<1024x1xi32>
    %reduce_sum3A_24 = vector.shape_cast %broadcast_in_dim3A_16 : vector<1024x1xf32> to vector<1x1024x1xf32>
    %reduce_sum3A_25 = arith.constant dense<0.000000e+00> : vector<1xf32>
    %reduce_sum3A_26 = vector.multi_reduction <add>, %reduce_sum3A_24, %reduce_sum3A_25 [1, 2] : vector<1x1024x1xf32> to vector<1xf32>
    %reduce_sum3A_27 = vector.shape_cast %reduce_sum3A_26 : vector<1xf32> to vector<1x1x1xf32>
    %reduce_sum3A_28 = vector.extract %reduce_sum3A_27[0, 0, 0] : f32 from vector<1x1x1xf32>
    %get3A_29 = arith.constant 0 : index
    %get3A_30 = arith.constant 32 : index
    %get3A_31 = vector.load %arg1[%get3A_29, %get3A_30] : memref<1024x256xf32, #tpu.memory_space<vmem>>, vector<1024x32xf32>
    %dot_general3A_32 = arith.constant dense<0.000000e+00> : vector<1024x1024xf32>
    %dot_general3A_33 = tpu.matmul %get3A_31, %get3A_1, %dot_general3A_32 {dimension_numbers = #tpu.dot_dimension_numbers<[1], [0], [0], [1], [0, 0, 1, 1], [], []>, transpose_lhs_hint = false} : vector<1024x32xf32>, vector<32x1024xf32>, vector<1024x1024xf32> -> vector<1024x1024xf32>
    %mul3A_34 = arith.mulf %get3A_31, %get3A_31 : vector<1024x32xf32>
    %reduce_sum3A_35 = arith.constant dense<0.000000e+00> : vector<1024xf32>
    %reduce_sum3A_36 = vector.multi_reduction <add>, %mul3A_34, %reduce_sum3A_35 [1] : vector<1024x32xf32> to vector<1024xf32>
    %broadcast_in_dim3A_37 = vector.shape_cast %reduce_sum3A_36 : vector<1024xf32> to vector<1024x1xf32>
    %add3A_38 = vector.broadcast %broadcast_in_dim3A_37 : vector<1024x1xf32> to vector<1024x1024xf32>
    %add3A_39 = vector.broadcast %get3A_4 : vector<1x1024xf32> to vector<1024x1024xf32>
    %add3A_40 = arith.addf %add3A_38, %add3A_39 : vector<1024x1024xf32>
    %sub3A_41 = arith.subf %add3A_40, %dot_general3A_33 : vector<1024x1024xf32>
    %reduce_min3A_42 = arith.constant dense<0x7F800000> : vector<1024xf32>
    %reduce_min3A_43 = vector.multi_reduction <minimumf>, %sub3A_41, %reduce_min3A_42 [1] : vector<1024x1024xf32> to vector<1024xf32>
    %broadcast_in_dim3A_44 = vector.shape_cast %reduce_min3A_43 : vector<1024xf32> to vector<1024x1xf32>
    %eq3A_45 = vector.broadcast %broadcast_in_dim3A_44 : vector<1024x1xf32> to vector<1024x1024xf32>
    %eq3A_46 = arith.cmpf oeq, %sub3A_41, %eq3A_45 : vector<1024x1024xf32>
    %jit3A_47 = arith.constant 1.024000e+03 : f32
    %broadcast_in_dim3A_48 = vector.shape_cast %get3A_7 : vector<1x1024xf32> to vector<1x1024xf32>
    %broadcast_in_dim3A_49 = vector.broadcast %broadcast_in_dim3A_48 : vector<1x1024xf32> to vector<1024x1024xf32>
    %broadcast_in_dim3A_50 = vector.broadcast %jit3A_47 : f32 to vector<1024x1024xf32>
    %select_n3A_51 = arith.select %eq3A_46, %broadcast_in_dim3A_49, %broadcast_in_dim3A_50 : vector<1024x1024xi1>, vector<1024x1024xf32>
    %reduce_min3A_52 = arith.constant dense<0x7F800000> : vector<1024xf32>
    %reduce_min3A_53 = vector.multi_reduction <minimumf>, %select_n3A_51, %reduce_min3A_52 [1] : vector<1024x1024xf32> to vector<1024xf32>
    %broadcast_in_dim3A_54 = vector.shape_cast %reduce_min3A_53 : vector<1024xf32> to vector<1024x1xf32>
    %convert_element_type3A_55 = arith.fptosi %broadcast_in_dim3A_54 : vector<1024x1xf32> to vector<1024x1xi32>
    %reduce_sum3A_56 = vector.shape_cast %broadcast_in_dim3A_44 : vector<1024x1xf32> to vector<1x1024x1xf32>
    %reduce_sum3A_57 = arith.constant dense<0.000000e+00> : vector<1xf32>
    %reduce_sum3A_58 = vector.multi_reduction <add>, %reduce_sum3A_56, %reduce_sum3A_57 [1, 2] : vector<1x1024x1xf32> to vector<1xf32>
    %reduce_sum3A_59 = vector.shape_cast %reduce_sum3A_58 : vector<1xf32> to vector<1x1x1xf32>
    %reduce_sum3A_60 = vector.extract %reduce_sum3A_59[0, 0, 0] : f32 from vector<1x1x1xf32>
    %add3A_61 = arith.addf %reduce_sum3A_28, %reduce_sum3A_60 : f32
    %get3A_62 = arith.constant 0 : index
    %get3A_63 = arith.constant 64 : index
    %get3A_64 = vector.load %arg1[%get3A_62, %get3A_63] : memref<1024x256xf32, #tpu.memory_space<vmem>>, vector<1024x32xf32>
    %dot_general3A_65 = arith.constant dense<0.000000e+00> : vector<1024x1024xf32>
    %dot_general3A_66 = tpu.matmul %get3A_64, %get3A_1, %dot_general3A_65 {dimension_numbers = #tpu.dot_dimension_numbers<[1], [0], [0], [1], [0, 0, 1, 1], [], []>, transpose_lhs_hint = false} : vector<1024x32xf32>, vector<32x1024xf32>, vector<1024x1024xf32> -> vector<1024x1024xf32>
    %mul3A_67 = arith.mulf %get3A_64, %get3A_64 : vector<1024x32xf32>
    %reduce_sum3A_68 = arith.constant dense<0.000000e+00> : vector<1024xf32>
    %reduce_sum3A_69 = vector.multi_reduction <add>, %mul3A_67, %reduce_sum3A_68 [1] : vector<1024x32xf32> to vector<1024xf32>
    %broadcast_in_dim3A_70 = vector.shape_cast %reduce_sum3A_69 : vector<1024xf32> to vector<1024x1xf32>
    %add3A_71 = vector.broadcast %broadcast_in_dim3A_70 : vector<1024x1xf32> to vector<1024x1024xf32>
    %add3A_72 = vector.broadcast %get3A_4 : vector<1x1024xf32> to vector<1024x1024xf32>
    %add3A_73 = arith.addf %add3A_71, %add3A_72 : vector<1024x1024xf32>
    %sub3A_74 = arith.subf %add3A_73, %dot_general3A_66 : vector<1024x1024xf32>
    %reduce_min3A_75 = arith.constant dense<0x7F800000> : vector<1024xf32>
    %reduce_min3A_76 = vector.multi_reduction <minimumf>, %sub3A_74, %reduce_min3A_75 [1] : vector<1024x1024xf32> to vector<1024xf32>
    %broadcast_in_dim3A_77 = vector.shape_cast %reduce_min3A_76 : vector<1024xf32> to vector<1024x1xf32>
    %eq3A_78 = vector.broadcast %broadcast_in_dim3A_77 : vector<1024x1xf32> to vector<1024x1024xf32>
    %eq3A_79 = arith.cmpf oeq, %sub3A_74, %eq3A_78 : vector<1024x1024xf32>
    %jit3A_80 = arith.constant 1.024000e+03 : f32
    %broadcast_in_dim3A_81 = vector.shape_cast %get3A_7 : vector<1x1024xf32> to vector<1x1024xf32>
    %broadcast_in_dim3A_82 = vector.broadcast %broadcast_in_dim3A_81 : vector<1x1024xf32> to vector<1024x1024xf32>
    %broadcast_in_dim3A_83 = vector.broadcast %jit3A_80 : f32 to vector<1024x1024xf32>
    %select_n3A_84 = arith.select %eq3A_79, %broadcast_in_dim3A_82, %broadcast_in_dim3A_83 : vector<1024x1024xi1>, vector<1024x1024xf32>
    %reduce_min3A_85 = arith.constant dense<0x7F800000> : vector<1024xf32>
    %reduce_min3A_86 = vector.multi_reduction <minimumf>, %select_n3A_84, %reduce_min3A_85 [1] : vector<1024x1024xf32> to vector<1024xf32>
    %broadcast_in_dim3A_87 = vector.shape_cast %reduce_min3A_86 : vector<1024xf32> to vector<1024x1xf32>
    %convert_element_type3A_88 = arith.fptosi %broadcast_in_dim3A_87 : vector<1024x1xf32> to vector<1024x1xi32>
    %reduce_sum3A_89 = vector.shape_cast %broadcast_in_dim3A_77 : vector<1024x1xf32> to vector<1x1024x1xf32>
    %reduce_sum3A_90 = arith.constant dense<0.000000e+00> : vector<1xf32>
    %reduce_sum3A_91 = vector.multi_reduction <add>, %reduce_sum3A_89, %reduce_sum3A_90 [1, 2] : vector<1x1024x1xf32> to vector<1xf32>
    %reduce_sum3A_92 = vector.shape_cast %reduce_sum3A_91 : vector<1xf32> to vector<1x1x1xf32>
    %reduce_sum3A_93 = vector.extract %reduce_sum3A_92[0, 0, 0] : f32 from vector<1x1x1xf32>
    %add3A_94 = arith.addf %add3A_61, %reduce_sum3A_93 : f32
    %get3A_95 = arith.constant 0 : index
    %get3A_96 = arith.constant 96 : index
    %get3A_97 = vector.load %arg1[%get3A_95, %get3A_96] : memref<1024x256xf32, #tpu.memory_space<vmem>>, vector<1024x32xf32>
    %dot_general3A_98 = arith.constant dense<0.000000e+00> : vector<1024x1024xf32>
    %dot_general3A_99 = tpu.matmul %get3A_97, %get3A_1, %dot_general3A_98 {dimension_numbers = #tpu.dot_dimension_numbers<[1], [0], [0], [1], [0, 0, 1, 1], [], []>, transpose_lhs_hint = false} : vector<1024x32xf32>, vector<32x1024xf32>, vector<1024x1024xf32> -> vector<1024x1024xf32>
    %mul3A_100 = arith.mulf %get3A_97, %get3A_97 : vector<1024x32xf32>
    %reduce_sum3A_101 = arith.constant dense<0.000000e+00> : vector<1024xf32>
    %reduce_sum3A_102 = vector.multi_reduction <add>, %mul3A_100, %reduce_sum3A_101 [1] : vector<1024x32xf32> to vector<1024xf32>
    %broadcast_in_dim3A_103 = vector.shape_cast %reduce_sum3A_102 : vector<1024xf32> to vector<1024x1xf32>
    %add3A_104 = vector.broadcast %broadcast_in_dim3A_103 : vector<1024x1xf32> to vector<1024x1024xf32>
    %add3A_105 = vector.broadcast %get3A_4 : vector<1x1024xf32> to vector<1024x1024xf32>
    %add3A_106 = arith.addf %add3A_104, %add3A_105 : vector<1024x1024xf32>
    %sub3A_107 = arith.subf %add3A_106, %dot_general3A_99 : vector<1024x1024xf32>
    %reduce_min3A_108 = arith.constant dense<0x7F800000> : vector<1024xf32>
    %reduce_min3A_109 = vector.multi_reduction <minimumf>, %sub3A_107, %reduce_min3A_108 [1] : vector<1024x1024xf32> to vector<1024xf32>
    %broadcast_in_dim3A_110 = vector.shape_cast %reduce_min3A_109 : vector<1024xf32> to vector<1024x1xf32>
    %eq3A_111 = vector.broadcast %broadcast_in_dim3A_110 : vector<1024x1xf32> to vector<1024x1024xf32>
    %eq3A_112 = arith.cmpf oeq, %sub3A_107, %eq3A_111 : vector<1024x1024xf32>
    %jit3A_113 = arith.constant 1.024000e+03 : f32
    %broadcast_in_dim3A_114 = vector.shape_cast %get3A_7 : vector<1x1024xf32> to vector<1x1024xf32>
    %broadcast_in_dim3A_115 = vector.broadcast %broadcast_in_dim3A_114 : vector<1x1024xf32> to vector<1024x1024xf32>
    %broadcast_in_dim3A_116 = vector.broadcast %jit3A_113 : f32 to vector<1024x1024xf32>
    %select_n3A_117 = arith.select %eq3A_112, %broadcast_in_dim3A_115, %broadcast_in_dim3A_116 : vector<1024x1024xi1>, vector<1024x1024xf32>
    %reduce_min3A_118 = arith.constant dense<0x7F800000> : vector<1024xf32>
    %reduce_min3A_119 = vector.multi_reduction <minimumf>, %select_n3A_117, %reduce_min3A_118 [1] : vector<1024x1024xf32> to vector<1024xf32>
    %broadcast_in_dim3A_120 = vector.shape_cast %reduce_min3A_119 : vector<1024xf32> to vector<1024x1xf32>
    %convert_element_type3A_121 = arith.fptosi %broadcast_in_dim3A_120 : vector<1024x1xf32> to vector<1024x1xi32>
    %reduce_sum3A_122 = vector.shape_cast %broadcast_in_dim3A_110 : vector<1024x1xf32> to vector<1x1024x1xf32>
    %reduce_sum3A_123 = arith.constant dense<0.000000e+00> : vector<1xf32>
    %reduce_sum3A_124 = vector.multi_reduction <add>, %reduce_sum3A_122, %reduce_sum3A_123 [1, 2] : vector<1x1024x1xf32> to vector<1xf32>
    %reduce_sum3A_125 = vector.shape_cast %reduce_sum3A_124 : vector<1xf32> to vector<1x1x1xf32>
    %reduce_sum3A_126 = vector.extract %reduce_sum3A_125[0, 0, 0] : f32 from vector<1x1x1xf32>
    %add3A_127 = arith.addf %add3A_94, %reduce_sum3A_126 : f32
    %get3A_128 = arith.constant 0 : index
    %get3A_129 = arith.constant 128 : index
    %get3A_130 = vector.load %arg1[%get3A_128, %get3A_129] : memref<1024x256xf32, #tpu.memory_space<vmem>>, vector<1024x32xf32>
    %dot_general3A_131 = arith.constant dense<0.000000e+00> : vector<1024x1024xf32>
    %dot_general3A_132 = tpu.matmul %get3A_130, %get3A_1, %dot_general3A_131 {dimension_numbers = #tpu.dot_dimension_numbers<[1], [0], [0], [1], [0, 0, 1, 1], [], []>, transpose_lhs_hint = false} : vector<1024x32xf32>, vector<32x1024xf32>, vector<1024x1024xf32> -> vector<1024x1024xf32>
    %mul3A_133 = arith.mulf %get3A_130, %get3A_130 : vector<1024x32xf32>
    %reduce_sum3A_134 = arith.constant dense<0.000000e+00> : vector<1024xf32>
    %reduce_sum3A_135 = vector.multi_reduction <add>, %mul3A_133, %reduce_sum3A_134 [1] : vector<1024x32xf32> to vector<1024xf32>
    %broadcast_in_dim3A_136 = vector.shape_cast %reduce_sum3A_135 : vector<1024xf32> to vector<1024x1xf32>
    %add3A_137 = vector.broadcast %broadcast_in_dim3A_136 : vector<1024x1xf32> to vector<1024x1024xf32>
    %add3A_138 = vector.broadcast %get3A_4 : vector<1x1024xf32> to vector<1024x1024xf32>
    %add3A_139 = arith.addf %add3A_137, %add3A_138 : vector<1024x1024xf32>
    %sub3A_140 = arith.subf %add3A_139, %dot_general3A_132 : vector<1024x1024xf32>
    %reduce_min3A_141 = arith.constant dense<0x7F800000> : vector<1024xf32>
    %reduce_min3A_142 = vector.multi_reduction <minimumf>, %sub3A_140, %reduce_min3A_141 [1] : vector<1024x1024xf32> to vector<1024xf32>
    %broadcast_in_dim3A_143 = vector.shape_cast %reduce_min3A_142 : vector<1024xf32> to vector<1024x1xf32>
    %eq3A_144 = vector.broadcast %broadcast_in_dim3A_143 : vector<1024x1xf32> to vector<1024x1024xf32>
    %eq3A_145 = arith.cmpf oeq, %sub3A_140, %eq3A_144 : vector<1024x1024xf32>
    %jit3A_146 = arith.constant 1.024000e+03 : f32
    %broadcast_in_dim3A_147 = vector.shape_cast %get3A_7 : vector<1x1024xf32> to vector<1x1024xf32>
    %broadcast_in_dim3A_148 = vector.broadcast %broadcast_in_dim3A_147 : vector<1x1024xf32> to vector<1024x1024xf32>
    %broadcast_in_dim3A_149 = vector.broadcast %jit3A_146 : f32 to vector<1024x1024xf32>
    %select_n3A_150 = arith.select %eq3A_145, %broadcast_in_dim3A_148, %broadcast_in_dim3A_149 : vector<1024x1024xi1>, vector<1024x1024xf32>
    %reduce_min3A_151 = arith.constant dense<0x7F800000> : vector<1024xf32>
    %reduce_min3A_152 = vector.multi_reduction <minimumf>, %select_n3A_150, %reduce_min3A_151 [1] : vector<1024x1024xf32> to vector<1024xf32>
    %broadcast_in_dim3A_153 = vector.shape_cast %reduce_min3A_152 : vector<1024xf32> to vector<1024x1xf32>
    %convert_element_type3A_154 = arith.fptosi %broadcast_in_dim3A_153 : vector<1024x1xf32> to vector<1024x1xi32>
    %reduce_sum3A_155 = vector.shape_cast %broadcast_in_dim3A_143 : vector<1024x1xf32> to vector<1x1024x1xf32>
    %reduce_sum3A_156 = arith.constant dense<0.000000e+00> : vector<1xf32>
    %reduce_sum3A_157 = vector.multi_reduction <add>, %reduce_sum3A_155, %reduce_sum3A_156 [1, 2] : vector<1x1024x1xf32> to vector<1xf32>
    %reduce_sum3A_158 = vector.shape_cast %reduce_sum3A_157 : vector<1xf32> to vector<1x1x1xf32>
    %reduce_sum3A_159 = vector.extract %reduce_sum3A_158[0, 0, 0] : f32 from vector<1x1x1xf32>
    %add3A_160 = arith.addf %add3A_127, %reduce_sum3A_159 : f32
    %get3A_161 = arith.constant 0 : index
    %get3A_162 = arith.constant 160 : index
    %get3A_163 = vector.load %arg1[%get3A_161, %get3A_162] : memref<1024x256xf32, #tpu.memory_space<vmem>>, vector<1024x32xf32>
    %dot_general3A_164 = arith.constant dense<0.000000e+00> : vector<1024x1024xf32>
    %dot_general3A_165 = tpu.matmul %get3A_163, %get3A_1, %dot_general3A_164 {dimension_numbers = #tpu.dot_dimension_numbers<[1], [0], [0], [1], [0, 0, 1, 1], [], []>, transpose_lhs_hint = false} : vector<1024x32xf32>, vector<32x1024xf32>, vector<1024x1024xf32> -> vector<1024x1024xf32>
    %mul3A_166 = arith.mulf %get3A_163, %get3A_163 : vector<1024x32xf32>
    %reduce_sum3A_167 = arith.constant dense<0.000000e+00> : vector<1024xf32>
    %reduce_sum3A_168 = vector.multi_reduction <add>, %mul3A_166, %reduce_sum3A_167 [1] : vector<1024x32xf32> to vector<1024xf32>
    %broadcast_in_dim3A_169 = vector.shape_cast %reduce_sum3A_168 : vector<1024xf32> to vector<1024x1xf32>
    %add3A_170 = vector.broadcast %broadcast_in_dim3A_169 : vector<1024x1xf32> to vector<1024x1024xf32>
    %add3A_171 = vector.broadcast %get3A_4 : vector<1x1024xf32> to vector<1024x1024xf32>
    %add3A_172 = arith.addf %add3A_170, %add3A_171 : vector<1024x1024xf32>
    %sub3A_173 = arith.subf %add3A_172, %dot_general3A_165 : vector<1024x1024xf32>
    %reduce_min3A_174 = arith.constant dense<0x7F800000> : vector<1024xf32>
    %reduce_min3A_175 = vector.multi_reduction <minimumf>, %sub3A_173, %reduce_min3A_174 [1] : vector<1024x1024xf32> to vector<1024xf32>
    %broadcast_in_dim3A_176 = vector.shape_cast %reduce_min3A_175 : vector<1024xf32> to vector<1024x1xf32>
    %eq3A_177 = vector.broadcast %broadcast_in_dim3A_176 : vector<1024x1xf32> to vector<1024x1024xf32>
    %eq3A_178 = arith.cmpf oeq, %sub3A_173, %eq3A_177 : vector<1024x1024xf32>
    %jit3A_179 = arith.constant 1.024000e+03 : f32
    %broadcast_in_dim3A_180 = vector.shape_cast %get3A_7 : vector<1x1024xf32> to vector<1x1024xf32>
    %broadcast_in_dim3A_181 = vector.broadcast %broadcast_in_dim3A_180 : vector<1x1024xf32> to vector<1024x1024xf32>
    %broadcast_in_dim3A_182 = vector.broadcast %jit3A_179 : f32 to vector<1024x1024xf32>
    %select_n3A_183 = arith.select %eq3A_178, %broadcast_in_dim3A_181, %broadcast_in_dim3A_182 : vector<1024x1024xi1>, vector<1024x1024xf32>
    %reduce_min3A_184 = arith.constant dense<0x7F800000> : vector<1024xf32>
    %reduce_min3A_185 = vector.multi_reduction <minimumf>, %select_n3A_183, %reduce_min3A_184 [1] : vector<1024x1024xf32> to vector<1024xf32>
    %broadcast_in_dim3A_186 = vector.shape_cast %reduce_min3A_185 : vector<1024xf32> to vector<1024x1xf32>
    %convert_element_type3A_187 = arith.fptosi %broadcast_in_dim3A_186 : vector<1024x1xf32> to vector<1024x1xi32>
    %reduce_sum3A_188 = vector.shape_cast %broadcast_in_dim3A_176 : vector<1024x1xf32> to vector<1x1024x1xf32>
    %reduce_sum3A_189 = arith.constant dense<0.000000e+00> : vector<1xf32>
    %reduce_sum3A_190 = vector.multi_reduction <add>, %reduce_sum3A_188, %reduce_sum3A_189 [1, 2] : vector<1x1024x1xf32> to vector<1xf32>
    %reduce_sum3A_191 = vector.shape_cast %reduce_sum3A_190 : vector<1xf32> to vector<1x1x1xf32>
    %reduce_sum3A_192 = vector.extract %reduce_sum3A_191[0, 0, 0] : f32 from vector<1x1x1xf32>
    %add3A_193 = arith.addf %add3A_160, %reduce_sum3A_192 : f32
    %get3A_194 = arith.constant 0 : index
    %get3A_195 = arith.constant 192 : index
    %get3A_196 = vector.load %arg1[%get3A_194, %get3A_195] : memref<1024x256xf32, #tpu.memory_space<vmem>>, vector<1024x32xf32>
    %dot_general3A_197 = arith.constant dense<0.000000e+00> : vector<1024x1024xf32>
    %dot_general3A_198 = tpu.matmul %get3A_196, %get3A_1, %dot_general3A_197 {dimension_numbers = #tpu.dot_dimension_numbers<[1], [0], [0], [1], [0, 0, 1, 1], [], []>, transpose_lhs_hint = false} : vector<1024x32xf32>, vector<32x1024xf32>, vector<1024x1024xf32> -> vector<1024x1024xf32>
    %mul3A_199 = arith.mulf %get3A_196, %get3A_196 : vector<1024x32xf32>
    %reduce_sum3A_200 = arith.constant dense<0.000000e+00> : vector<1024xf32>
    %reduce_sum3A_201 = vector.multi_reduction <add>, %mul3A_199, %reduce_sum3A_200 [1] : vector<1024x32xf32> to vector<1024xf32>
    %broadcast_in_dim3A_202 = vector.shape_cast %reduce_sum3A_201 : vector<1024xf32> to vector<1024x1xf32>
    %add3A_203 = vector.broadcast %broadcast_in_dim3A_202 : vector<1024x1xf32> to vector<1024x1024xf32>
    %add3A_204 = vector.broadcast %get3A_4 : vector<1x1024xf32> to vector<1024x1024xf32>
    %add3A_205 = arith.addf %add3A_203, %add3A_204 : vector<1024x1024xf32>
    %sub3A_206 = arith.subf %add3A_205, %dot_general3A_198 : vector<1024x1024xf32>
    %reduce_min3A_207 = arith.constant dense<0x7F800000> : vector<1024xf32>
    %reduce_min3A_208 = vector.multi_reduction <minimumf>, %sub3A_206, %reduce_min3A_207 [1] : vector<1024x1024xf32> to vector<1024xf32>
    %broadcast_in_dim3A_209 = vector.shape_cast %reduce_min3A_208 : vector<1024xf32> to vector<1024x1xf32>
    %eq3A_210 = vector.broadcast %broadcast_in_dim3A_209 : vector<1024x1xf32> to vector<1024x1024xf32>
    %eq3A_211 = arith.cmpf oeq, %sub3A_206, %eq3A_210 : vector<1024x1024xf32>
    %jit3A_212 = arith.constant 1.024000e+03 : f32
    %broadcast_in_dim3A_213 = vector.shape_cast %get3A_7 : vector<1x1024xf32> to vector<1x1024xf32>
    %broadcast_in_dim3A_214 = vector.broadcast %broadcast_in_dim3A_213 : vector<1x1024xf32> to vector<1024x1024xf32>
    %broadcast_in_dim3A_215 = vector.broadcast %jit3A_212 : f32 to vector<1024x1024xf32>
    %select_n3A_216 = arith.select %eq3A_211, %broadcast_in_dim3A_214, %broadcast_in_dim3A_215 : vector<1024x1024xi1>, vector<1024x1024xf32>
    %reduce_min3A_217 = arith.constant dense<0x7F800000> : vector<1024xf32>
    %reduce_min3A_218 = vector.multi_reduction <minimumf>, %select_n3A_216, %reduce_min3A_217 [1] : vector<1024x1024xf32> to vector<1024xf32>
    %broadcast_in_dim3A_219 = vector.shape_cast %reduce_min3A_218 : vector<1024xf32> to vector<1024x1xf32>
    %convert_element_type3A_220 = arith.fptosi %broadcast_in_dim3A_219 : vector<1024x1xf32> to vector<1024x1xi32>
    %reduce_sum3A_221 = vector.shape_cast %broadcast_in_dim3A_209 : vector<1024x1xf32> to vector<1x1024x1xf32>
    %reduce_sum3A_222 = arith.constant dense<0.000000e+00> : vector<1xf32>
    %reduce_sum3A_223 = vector.multi_reduction <add>, %reduce_sum3A_221, %reduce_sum3A_222 [1, 2] : vector<1x1024x1xf32> to vector<1xf32>
    %reduce_sum3A_224 = vector.shape_cast %reduce_sum3A_223 : vector<1xf32> to vector<1x1x1xf32>
    %reduce_sum3A_225 = vector.extract %reduce_sum3A_224[0, 0, 0] : f32 from vector<1x1x1xf32>
    %add3A_226 = arith.addf %add3A_193, %reduce_sum3A_225 : f32
    %get3A_227 = arith.constant 0 : index
    %get3A_228 = arith.constant 224 : index
    %get3A_229 = vector.load %arg1[%get3A_227, %get3A_228] : memref<1024x256xf32, #tpu.memory_space<vmem>>, vector<1024x32xf32>
    %dot_general3A_230 = arith.constant dense<0.000000e+00> : vector<1024x1024xf32>
    %dot_general3A_231 = tpu.matmul %get3A_229, %get3A_1, %dot_general3A_230 {dimension_numbers = #tpu.dot_dimension_numbers<[1], [0], [0], [1], [0, 0, 1, 1], [], []>, transpose_lhs_hint = false} : vector<1024x32xf32>, vector<32x1024xf32>, vector<1024x1024xf32> -> vector<1024x1024xf32>
    %mul3A_232 = arith.mulf %get3A_229, %get3A_229 : vector<1024x32xf32>
    %reduce_sum3A_233 = arith.constant dense<0.000000e+00> : vector<1024xf32>
    %reduce_sum3A_234 = vector.multi_reduction <add>, %mul3A_232, %reduce_sum3A_233 [1] : vector<1024x32xf32> to vector<1024xf32>
    %broadcast_in_dim3A_235 = vector.shape_cast %reduce_sum3A_234 : vector<1024xf32> to vector<1024x1xf32>
    %add3A_236 = vector.broadcast %broadcast_in_dim3A_235 : vector<1024x1xf32> to vector<1024x1024xf32>
    %add3A_237 = vector.broadcast %get3A_4 : vector<1x1024xf32> to vector<1024x1024xf32>
    %add3A_238 = arith.addf %add3A_236, %add3A_237 : vector<1024x1024xf32>
    %sub3A_239 = arith.subf %add3A_238, %dot_general3A_231 : vector<1024x1024xf32>
    %reduce_min3A_240 = arith.constant dense<0x7F800000> : vector<1024xf32>
    %reduce_min3A_241 = vector.multi_reduction <minimumf>, %sub3A_239, %reduce_min3A_240 [1] : vector<1024x1024xf32> to vector<1024xf32>
    %broadcast_in_dim3A_242 = vector.shape_cast %reduce_min3A_241 : vector<1024xf32> to vector<1024x1xf32>
    %eq3A_243 = vector.broadcast %broadcast_in_dim3A_242 : vector<1024x1xf32> to vector<1024x1024xf32>
    %eq3A_244 = arith.cmpf oeq, %sub3A_239, %eq3A_243 : vector<1024x1024xf32>
    %jit3A_245 = arith.constant 1.024000e+03 : f32
    %broadcast_in_dim3A_246 = vector.shape_cast %get3A_7 : vector<1x1024xf32> to vector<1x1024xf32>
    %broadcast_in_dim3A_247 = vector.broadcast %broadcast_in_dim3A_246 : vector<1x1024xf32> to vector<1024x1024xf32>
    %broadcast_in_dim3A_248 = vector.broadcast %jit3A_245 : f32 to vector<1024x1024xf32>
    %select_n3A_249 = arith.select %eq3A_244, %broadcast_in_dim3A_247, %broadcast_in_dim3A_248 : vector<1024x1024xi1>, vector<1024x1024xf32>
    %reduce_min3A_250 = arith.constant dense<0x7F800000> : vector<1024xf32>
    %reduce_min3A_251 = vector.multi_reduction <minimumf>, %select_n3A_249, %reduce_min3A_250 [1] : vector<1024x1024xf32> to vector<1024xf32>
    %broadcast_in_dim3A_252 = vector.shape_cast %reduce_min3A_251 : vector<1024xf32> to vector<1024x1xf32>
    %convert_element_type3A_253 = arith.fptosi %broadcast_in_dim3A_252 : vector<1024x1xf32> to vector<1024x1xi32>
    %reduce_sum3A_254 = vector.shape_cast %broadcast_in_dim3A_242 : vector<1024x1xf32> to vector<1x1024x1xf32>
    %reduce_sum3A_255 = arith.constant dense<0.000000e+00> : vector<1xf32>
    %reduce_sum3A_256 = vector.multi_reduction <add>, %reduce_sum3A_254, %reduce_sum3A_255 [1, 2] : vector<1x1024x1xf32> to vector<1xf32>
    %reduce_sum3A_257 = vector.shape_cast %reduce_sum3A_256 : vector<1xf32> to vector<1x1x1xf32>
    %reduce_sum3A_258 = vector.extract %reduce_sum3A_257[0, 0, 0] : f32 from vector<1x1x1xf32>
    %add3A_259 = arith.addf %add3A_226, %reduce_sum3A_258 : f32
    %concatenate3A = tpu.concatenate %convert_element_type3A, %convert_element_type3A_55, %convert_element_type3A_88, %convert_element_type3A_121, %convert_element_type3A_154, %convert_element_type3A_187, %convert_element_type3A_220, %convert_element_type3A_253 in 1 : vector<1024x1xi32>, vector<1024x1xi32>, vector<1024x1xi32>, vector<1024x1xi32>, vector<1024x1xi32>, vector<1024x1xi32>, vector<1024x1xi32>, vector<1024x1xi32> -> vector<1024x8xi32>
    %swap3A = arith.constant 0 : index
    %swap3A_260 = arith.constant 0 : index
    %swap3A_261 = vector.load %arg5[%swap3A, %swap3A_260] : memref<1024x8xi32, #tpu.memory_space<vmem>>, vector<1024x8xi32>
    tpu.vector_store %arg5[%swap3A, %swap3A_260], %concatenate3A {strides = array<i32>} : memref<1024x8xi32, #tpu.memory_space<vmem>>, vector<1024x8xi32>,
    %eq3A_262 = arith.constant 0 : i32
    %eq3A_263 = arith.cmpi eq, %arg0, %eq3A_262 : i32
    %convert_element_type3A_264 = arith.extui %eq3A_263 : i1 to i32
    %cond3A = arith.constant 0 : i32
    %cond3A_265 = arith.cmpi ne, %convert_element_type3A_264, %cond3A : i32
    scf.if %cond3A_265 {
      %swap3A_275 = arith.constant 0 : index
      %swap3A_276 = arith.constant 0 : index
      %swap3A_277 = memref.load %arg7[%swap3A_275, %swap3A_276] : memref<1x1xf32, #tpu.memory_space<smem>>
      memref.store %add3A_259, %arg7[%swap3A_275, %swap3A_276] : memref<1x1xf32, #tpu.memory_space<smem>>
    } else {
    }
    %gt3A = arith.constant 0 : i32
    %gt3A_266 = arith.cmpi sgt, %arg0, %gt3A : i32
    %convert_element_type3A_267 = arith.extui %gt3A_266 : i1 to i32
    %cond3A_268 = arith.constant 0 : i32
    %cond3A_269 = arith.cmpi ne, %convert_element_type3A_267, %cond3A_268 : i32
    scf.if %cond3A_269 {
      %get3A_275 = arith.constant 0 : index
      %get3A_276 = arith.constant 0 : index
      %get3A_277 = memref.load %arg7[%get3A_275, %get3A_276] : memref<1x1xf32, #tpu.memory_space<smem>>
      %add3A_278 = arith.addf %get3A_277, %add3A_259 : f32
      %swap3A_279 = arith.constant 0 : index
      %swap3A_280 = arith.constant 0 : index
      %swap3A_281 = memref.load %arg7[%swap3A_279, %swap3A_280] : memref<1x1xf32, #tpu.memory_space<smem>>
      memref.store %add3A_278, %arg7[%swap3A_279, %swap3A_280] : memref<1x1xf32, #tpu.memory_space<smem>>
    } else {
    }
    %eq3A_270 = arith.constant 7 : i32
    %eq3A_271 = arith.cmpi eq, %arg0, %eq3A_270 : i32
    %convert_element_type3A_272 = arith.extui %eq3A_271 : i1 to i32
    %cond3A_273 = arith.constant 0 : i32
    %cond3A_274 = arith.cmpi ne, %convert_element_type3A_272, %cond3A_273 : i32
    scf.if %cond3A_274 {
      %get3A_275 = arith.constant 0 : index
      %get3A_276 = arith.constant 0 : index
      %get3A_277 = memref.load %arg7[%get3A_275, %get3A_276] : memref<1x1xf32, #tpu.memory_space<smem>>
      %reshape3A = vector.broadcast %get3A_277 : f32 to vector<1x1xf32>
      %swap3A_278 = arith.constant 0 : index
      %swap3A_279 = arith.constant 0 : index
      %swap3A_280 = vector.load %arg6[%swap3A_278, %swap3A_279] : memref<1x1xf32, #tpu.memory_space<vmem>>, vector<1x1xf32>
      tpu.vector_store %arg6[%swap3A_278, %swap3A_279], %reshape3A {strides = array<i32>} : memref<1x1xf32, #tpu.memory_space<vmem>>, vector<1x1xf32>,
    } else {
    }
    return
  }
  func.func @transform_0(%arg0: i32) -> (i32, i32) {
    %add3A = arith.constant 0 : i32
    %add3A_0 = arith.addi %arg0, %add3A : i32
    %c0_i32 = arith.constant 0 : i32
    %c0_i32_1 = arith.constant 0 : i32
    return %add3A_0, %c0_i32 : i32, i32
  }
  func.func @transform_1(%arg0: i32) -> (i32, i32) {
    %c0_i32 = arith.constant 0 : i32
    %c0_i32_0 = arith.constant 0 : i32
    %c0_i32_1 = arith.constant 0 : i32
    return %c0_i32, %c0_i32_0 : i32, i32
  }
  func.func @transform_2(%arg0: i32) -> (i32, i32) {
    %c0_i32 = arith.constant 0 : i32
    %c0_i32_0 = arith.constant 0 : i32
    %c0_i32_1 = arith.constant 0 : i32
    return %c0_i32, %c0_i32_0 : i32, i32
  }
  func.func @transform_3(%arg0: i32) -> (i32, i32) {
    %c0_i32 = arith.constant 0 : i32
    %c0_i32_0 = arith.constant 0 : i32
    %c0_i32_1 = arith.constant 0 : i32
    return %c0_i32, %c0_i32_0 : i32, i32
  }
  func.func @transform_4(%arg0: i32) -> (i32, i32) {
    %c0_i32 = arith.constant 0 : i32
    %c0_i32_0 = arith.constant 0 : i32
    return %arg0, %c0_i32 : i32, i32
  }
  func.func @transform_5(%arg0: i32) -> (i32, i32) {
    %c0_i32 = arith.constant 0 : i32
    %c0_i32_0 = arith.constant 0 : i32
    %c0_i32_1 = arith.constant 0 : i32
    return %c0_i32, %c0_i32_0 : i32, i32
  }
}

</mosaic_0001>

<sc_bundles>
// kernel: kernel.5.cloned.1.call-start
scs
__scs_entry_jumppad:
0x0: {  	(pc) =	sbr.rel $0x88, $3  }
0x1: {  	(tag) =	ssettag $0x0;
	lr =	simm.s32 $0x1  }
0x2: {  	[smem:$0x3F9F] =	sst lr;
	_ =	strace $0xD0000000  }
0x3: {  	_ = 	snop  }
0x4: {  	_ = 	snop  }
0x5: {  	_ = 	snop  }
0x6: {  	_ = 	snop  }
0x7: {  	_ = 	snop  }
__scs_overlays_trampoline_lowered:
0x8: {  	[smem:$0x3FAE] =	sst s0  }
0x9: {  	[smem:$0x3FAF] =	sst s1  }
0xa: {  	[smem:$0x3FB0] =	sst s2  }
0xb: {  	[smem:$0x3FB1] =	sst s3  }
0xc: {  	[smem:$0x3FB2] =	sst s4  }
0xd: {  	[smem:$0x3FB3] =	sst s5  }
0xe: {  	[smem:$0x3FB4] =	sst s6  }
0xf: {  	[smem:$0x3FB5] =	sst s7  }
0x10: {  	[smem:$0x3FB6] =	sst s8  }
0x11: {  	[smem:$0x3FB7] =	sst s9;
	s0 =	simm.s32 @!p0 $0x0  }
0x12: {  	s1 =	sld [smem:$0x3F9D];
	s0 =	simm.s32 @p0 $0x1  }
0x13: {  	[smem:$0x3FB8] =	sst s0;
	s0 =	simm.s32 @!p1 $0x0  }
0x14: {  	s2 =	sld [smem:$0x3F9C];
	s0 =	simm.s32 @p1 $0x1  }
0x15: {  	[smem:$0x3FB9] =	sst s0;
	s0 =	simm.s32 @!p2 $0x0  }
0x16: {  	s3 =	sld [smem:$0x3FDB];
	s0 =	simm.s32 @p2 $0x1  }
0x17: {  	s4 =	simm.s32 $0x1BF5;
	[smem:$0x3FBB] =	sst s0  }
0x18: {  	s0 =	sld [smem:$0x3F9E];
	_ =	swait.ge [sflag:s4], $0x0  }
0x19: {  	s7 =	sld [smem:$0x3F9F]  }
0x1a: {  	s8 =	sadd.s32 $0xFFFFE003, lr  }
0x1b: {  	s9 =	sadd.s32 $0xFFFFFEF7, lr;
	s5 =	simm.s32 $0xFFFFFFFF;
	p2 =	slt.u32 s8, $0xFFFFF086  }
0x1c: {  	p1 =	slt.u32 s9, $0xF7A;
	s5 =	simm.s32 @!p2 $0x0  }
0x1d: {  	s5 =	simm.s32 @p1 $0x1;
	p0 =	seq.s32 s7, s2  }
0x1e: {  	s7 =	smul.u32 @!p0 $0xF7A, s2;
	p2 =	seq.s32 @!p0 s5, $0x0  }
0x1f: {  	s9 =	smul.u32 $0xF7A, s1;
	s8 =	simm.s32 @!p0 $0x1BF5;
	p2 =	por !p2, p0  }
0x20: {  	[sflag:s8] =	ssyncset.s32 @!p0 $0xFFFFF086;
	s6 =	sadd.s32 @!p0 s3, s7;
	s7 =	simm.s32 @!p0 $0x108  }
0x21: {  	s3 =	sadd.s32 s3, s9;
	s6 =	sadd.s32 @!p0 $0x88, s6;
	s7 =	simm.s32 @p2 $0x1082  }
0x22: {  	[simem:s7], [sflag:s8] =	dma.local @!p0 [hbm:s6], $0xF7A  }
0x23: {  	s9 =	sor.u32 $0xD0000000, s2;
	s6 =	simm.s32 $0x108;
	_ =	swait.ge @!p0 [sflag:s8], $0x0  }
0x24: {  	s3 =	sadd.s32 $0x88, s3;
	s6 =	simm.s32 @!p1 $0x1082;
	[sflag:s4] =	ssyncset.s32 $0xFFFFF086  }
0x25: {  	[simem:s6], [sflag:s4] =	dma.local [hbm:s3], $0xF7A  }
0x26: {  	[smem:$0x3F9F] =	sst s1;
	(tag) =	ssettag s2;
	_ =	strace s9  }
0x27: {  	s1 =	sld [smem:$0x3FAF]  }
0x28: {  	s2 =	sld [smem:$0x3FB0]  }
0x29: {  	s4 =	sld [smem:$0x3FB2]  }
0x2a: {  	p0 =	seq.s32 s5, $0x0;
	s5 =	sld [smem:$0x3FB3]  }
0x2b: {  	s6 =	sld [smem:$0x3FB4]  }
0x2c: {  	s7 =	sld [smem:$0x3FB5]  }
0x2d: {  	s3 =	simm.s32 $0x108;
	s8 =	sld [smem:$0x3FB6]  }
0x2e: {  	s3 =	simm.s32 @!p0 $0x1082;
	s9 =	sld [smem:$0x3FB7]  }
0x2f: {  	lr =	sadd.s32 s0, s3;
	s0 =	sld [smem:$0x3FAE]  }
0x30: {  	s3 =	sld [smem:$0x3FB1]  }
0x31: {  	[smem:$0x3FBA] =	sst s10  }
0x32: {  	s10 =	sld [smem:$0x3FB8];
	_ =	sdelay $0x3  }
0x33: {  	p0 =	seq.s32 s10, $0x1;
	s10 =	sld [smem:$0x3FBA];
	_ =	sdelay $0x3  }
0x34: {  	[smem:$0x3FBA] =	sst s10  }
0x35: {  	s10 =	sld [smem:$0x3FB9];
	_ =	sdelay $0x3  }
0x36: {  	p1 =	seq.s32 s10, $0x1;
	s10 =	sld [smem:$0x3FBA];
	_ =	sdelay $0x3  }
0x37: {  	[smem:$0x3FBA] =	sst s10  }
0x38: {  	s10 =	sld [smem:$0x3FBB]  }
0x39: {  	_ = 	snop;
	(pc) =	sbr.ind lr, $3  }
0x3a: {  	_ = 	snop  }
0x3b: {  	_ = 	snop  }
0x3c: {  	p2 =	seq.s32 s10, $0x1;
	s10 =	sld [smem:$0x3FBA]  }
0x3d: {  	_ =	shalt  }
0x3e: {  	_ =	shalt  }
0x3f: {  	_ =	shalt  }
0x40: {  	_ =	shalt  }
0x41: {  	_ =	shalt  }
0x42: {  	_ =	shalt  }
0x43: {  	_ =	shalt  }
0x44: {  	_ =	shalt  }
0x45: {  	_ =	shalt  }
0x46: {  	_ =	shalt  }
0x47: {  	_ =	shalt  }
0x48: {  	_ =	shalt  }
0x49: {  	_ =	shalt  }
0x4a: {  	_ =	shalt  }
0x4b: {  	_ =	shalt  }
0x4c: {  	_ =	shalt  }
0x4d: {  	_ =	shalt  }
0x4e: {  	_ =	shalt  }
0x4f: {  	_ =	shalt  }
0x50: {  	_ =	shalt  }
0x51: {  	_ =	shalt  }
0x52: {  	_ =	shalt  }
0x53: {  	_ =	shalt  }
0x54: {  	_ =	shalt  }
0x55: {  	_ =	shalt  }
0x56: {  	_ =	shalt  }
0x57: {  	_ =	shalt  }
0x58: {  	_ =	shalt  }
0x59: {  	_ =	shalt  }
0x5a: {  	_ =	shalt  }
0x5b: {  	_ =	shalt  }
0x5c: {  	_ =	shalt  }
0x5d: {  	_ =	shalt  }
0x5e: {  	_ =	shalt  }
0x5f: {  	_ =	shalt  }
0x60: {  	_ =	shalt  }
0x61: {  	_ =	shalt  }
0x62: {  	_ =	shalt  }
0x63: {  	_ =	shalt  }
0x64: {  	_ =	shalt  }
0x65: {  	_ =	shalt  }
0x66: {  	_ =	shalt  }
0x67: {  	_ =	shalt  }
0x68: {  	_ =	shalt  }
0x69: {  	_ =	shalt  }
0x6a: {  	_ =	shalt  }
0x6b: {  	_ =	shalt  }
0x6c: {  	_ =	shalt  }
0x6d: {  	_ =	shalt  }
0x6e: {  	_ =	shalt  }
0x6f: {  	_ =	shalt  }
0x70: {  	_ =	shalt  }
0x71: {  	_ =	shalt  }
0x72: {  	_ =	shalt  }
0x73: {  	_ =	shalt  }
0x74: {  	_ =	shalt  }
0x75: {  	_ =	shalt  }
0x76: {  	_ =	shalt  }
0x77: {  	_ =	shalt  }
0x78: {  	_ =	shalt  }
0x79: {  	_ =	shalt  }
0x7a: {  	_ =	shalt  }
0x7b: {  	_ =	shalt  }
0x7c: {  	_ =	shalt  }
0x7d: {  	_ =	shalt  }
0x7e: {  	_ =	shalt  }
0x7f: {  	_ =	shalt  }
0x80: {  	_ =	shalt  }
0x81: {  	_ =	shalt  }
0x82: {  	_ =	shalt  }
0x83: {  	_ =	shalt  }
0x84: {  	_ =	shalt  }
0x85: {  	_ =	shalt  }
0x86: {  	_ =	shalt  }
0x87: {  	_ =	shalt  }
.Lfunc_end0:
.L_simem_size_0:
called_computation_lowered:
.L_overlay_start_0:
0x88: {  	s2 =	sld [smem:$0x3FD9]  }
0x89: {  	s3 =	sld [smem:$0x3FFE];
	_ =	sdelay $0x1  }
0x8a: {  	s1 =	srdreg.scid  }
0x8b: {  	s0 =	sand.u32 $0x1, s1  }
0x8c: {  	s14 =	sshll.u32 s0, $0xA;
	s2 =	sadd.s32 s3, s2  }
0x8d: {  	s2 =	sadd.s32 s2, s14  }
0x8e: {  	[smem:$0x3FC6] =	sst s2  }
0x8f: {  	_ = 	snop  }
0x90: {  	s2 =	sld [smem:$0x3FD0];
	_ =	sdelay $0x2  }
0x91: {  	s15 =	simm.s32 $0xA;
	s4 =	simm.s32 $0x10  }
0x92: {  	[smem:s4], [sflag:s15] =	dma.local [hbm:s2], $0x1  }
0x93: {  	_ =	swait.eq [sflag:s15], $0x1  }
0x94: {  	[sflag:s15] =	ssyncset.done $0x0  }
0x95: {  	[sflag:s15] =	ssyncadd.s32 $0xFFFFFFFF  }
0x96: {  	s16 =	sld [smem:$0x10];
	(tm) =	ssettm $0x1  }
0x97: {  	s17 =	sld [smem:$0x3FFB];
	_ =	sdelay $0x3  }
0x98: {  	_ =	strace s17  }
0x99: {  	s3 =	sld [smem:$0x3FFC];
	_ =	sdelay $0x3  }
0x9a: {  	_ =	strace s3  }
0x9b: {  	s3 =	sld [smem:$0x3FFD];
	_ =	sdelay $0x3  }
0x9c: {  	_ =	strace s3  }
0x9d: {  	_ =	strace $0x8FFFFFFF  }
0x9e: {  	s18 =	sld [smem:$0x3FDB];
	_ =	sdelay $0x1  }
0x9f: {  	s19 =	simm.s32 $_scs_section_size  }
0xa0: {  	s5 =	simm.s32 $_size__tile_overlayer_lowered;
	s6 =	simm.s32 $_tile_overlayer_lowered  }
0xa1: {  	s22 =	simm.s32 $0x1BFF;
	s21 =	sshll.u32 s6, $0x1;
	s3 =	sadd.s32 s19, s18  }
0xa2: {  	s7 =	simm.s32 $0x0;
	s20 =	sshll.u32 s5, $0x1;
	s5 =	sadd.s32 s21, s3  }
0xa3: {  	[timem:s7], [sflag:s22] =	dma.local [hbm:s5], s20  }
0xa4: {  	_ =	swait.ge [sflag:s22], s20  }
0xa5: {  	s4 =	ssub.s32 $0x0, s20;
	[sflag:s22] =	ssyncset.done $0x0  }
0xa6: {  	[sflag:s22] =	ssyncadd.s32 s4;
	_ =	sdelay $0x1  }
0xa7: {  	s23 =	simm.s32 $0x1B8B  }
0xa8: {  	_ =	swait.ge [sflag:s23], $0x1  }
0xa9: {  	[sflag:s23] =	ssyncset.done $0x0  }
0xaa: {  	s25 =	simm.s32 $0x1B8E;
	s24 =	sld [smem:$0x3FFE];
	[sflag:s23] =	ssyncadd.s32 $0xFFFFFFFF  }
0xab: {  	s26 =	simm.s32 $execute0_lowered;
	[smem:$0x3FD2] =	sst s25  }
0xac: {  	s5 =	sshll.u32 s26, $0x1;
	_ =	strace $0x80000046;
	[dreg:$0x1] =	wrdreg $0xFFFFFFFF  }
0xad: {  	s28 =	simm.s32 $_size_execute0_lowered;
	s3 =	sadd.s32 s3, s5;
	[dreg:$0x0] =	wrdreg $0x0  }
0xae: {  	s5 =	sshll.u32 s28, $0x1;
	[dreg:$0x2] =	wrdreg s3  }
0xaf: {  	[dreg:$0x3] =	wrdreg s5  }
0xb0: {  	[dreg:$0x4] =	wrdreg $0xC0  }
0xb1: {  	_ =	task [dreg:s7], $0x5FFFF  }
0xb2: {  	[dreg:$0x1] =	wrdreg $0xFFFFFFFF  }
0xb3: {  	[dreg:$0x0] =	wrdreg $0x60  }
0xb4: {  	[dreg:$0x2] =	wrdreg s24  }
0xb5: {  	[dreg:$0x3] =	wrdreg s16  }
0xb6: {  	[dreg:$0x4] =	wrdreg $0x114000  }
0xb7: {  	[dreg:$0x5] =	wrdreg $0x9  }
0xb8: {  	_ =	task.clear_ibuf [dreg:s7], $0x6FFFF;
	_ =	strace $0x90000046  }
0xb9: {  	s29 =	simm.s32 $0x9;
	_ =	strace $0x80000048  }
0xba: {  	_ =	swait.ge [sflag:s29], $0x1  }
0xbb: {  	[sflag:s29] =	ssyncadd.s32 $0xFFFFFFFF  }
0xbc: {  	_ =	strace $0x90000048  }
0xbd: {  	_ =	sfence  }
0xbe: {  	s30 =	sld [smem:$0x0];
	_ =	sdelay $0x2  }
0xbf: {  	s31 =	sshll.u32 s1, $0xD;
	s1 =	sshrl.u32 s1, $0x2  }
0xc0: {  	s3 =	sand.u32 $0x4000, s31;
	s1 =	sadd.s32 s1, s30  }
0xc1: {  	s0 =	sor.u32 s3, s0;
	s1 =	sshll.u32 s1, $0x11  }
0xc2: {  	s0 =	sor.u32 s1, s0  }
0xc3: {  	s0 =	sadd.s32 $0x8F2B, s0  }
0xc4: {  	[sflag:s0] =	ssyncadd.remote.s32 $0x1  }
0xc5: {  	_ =	sfence.sel $0xFFFF  }
0xc6: {  	[dreg:$0x0] =	wrdreg $0xFFFFFFFF;
	(pc) =	sbr.abs _section_cstart, $3  }
0xc7: {  	[dreg:$0x1] =	wrdreg $0xFFFFFFFF  }
0xc8: {  	_ =	task.clear_ibuf [dreg:s7], $0x2FFFF;
	_ =	strace $0x9FFFFFFF  }
0xc9: {  	(tm) =	ssettm $0x7FFFFFFF  }
tec
execute0_lowered:
.L_overlay_start_1:
0x0: {  	(tag) =	ssettag $0x1  }
0x1: {  	s4 =	rddreg [dreg:$0x0]  }
0x2: {  	s5 =	rddreg [dreg:$0x1]  }
0x3: {  	s1 =	rddreg [dreg:$0x2];
	s2 =	srdreg.scid  }
0x4: {  	s0 =	rddreg [dreg:$0x3];
	s8 =	stileid.u32  }
0x5: {  	s12 =	simm.s32 $0x10800;
	s6 =	sand.u32 $0x1, s2;
	s2 =	simm.s32 $0x0  }
0x6: {  	s3 =	sshll.u32 s8, $0xC;
	p0 =	sne.s32 s8, $0x0;
	s8 =	simm.s32 $0x2  }
0x7: {  	s7 =	sshll.u32 s6, $0xB;
	[smem:$0x7FF] =	sst s2;
	s10 =	ssub.s32 $0x2, s6  }
0x8: {  	s6 =	sshll.u32 s6, $0x7;
	s7 =	sor.u32 s7, s3;
	_ =	strace $0x80000047  }
.Ltmp0:
0x9: {  	s3 =	sadd.s32 $0xC00, s4;
	s11 =	sshrl.u32 s10, $0x1;
	(pc) =	sbr.rel .LBB2_1-.Ltmp0, $4  }
0xa: {  	s6 =	sadd.s32 s6, s4;
	s9 =	sshll.u32 s7, $0x2;
	s7 =	sshrl.u32 s7, $0x3  }
0xb: {  	s10 =	ssub.s32 s10, s11;
	s6 =	sadd.s32 $0x41C00, s6;
	s11 =	simm.s32 $0x11000  }
0xc: {  	s9 =	sadd.s32 s9, s4;
	s4 =	sadd.s32 s5, s7;
	s7 =	smax.u32 s10, $0x1  }
0xd: {  	v0 =	vimm.f32 $1.000000000e+00;
	v1 =	vimm.f32 $0.0e+00;
	s10 =	simm.s32 $0x1;
	s5 =	sadd.s32 $0x1C00, s9;
	s9 =	simm.s32 $0x800  }
.LBB2_3:
0xe: {  	[bflag:$0x0] =	sbarrier.arrive $0xFFFF  }
0xf: {  	[spmem:s1] =	stream.indirect.scatter.add.f32 [tilespmem:s12], [sflag:$0x2], $0x1, s2, s9, $0xb8;
	[tilespmem:$0x11440] =	vst v63  }
0x10: {  	_ =	swait.ge [sflag:s8], $0x800  }
0x11: {  	[sflag:s8] =	ssyncset.done $0x0  }
0x12: {  	[sflag:s8] =	ssyncadd.s32 $0xFFFFF800  }
0x13: {  	[bflag:$0x0] =	sbarrier.arrive $0xFFFF  }
.LBB2_4:
0x14: {  	s7 =	sadd.s32 $0xFFFFFFFF, s7  }
0x15: {  	p1 =	sne.s32 s7, $0x0  }
.Ltmp1:
0x16: {  	_ = 	snop;
	(pc) =	sbr.rel @!p1 .LBB2_5-.Ltmp1, $1  }
0x17: {  	_ =	sdelay $0x3  }
.LBB2_1:
0x18: {  	[tilespmem:s2], [sflag:$0x2] =	stream.linear.gather [hbm4b:s4+s2], $0x800, $0x38;
	[tilespmem:$0x11440] =	vst v63  }
0x19: {  	_ =	swait.ge [sflag:s8], $0x800  }
0x1a: {  	[sflag:s8] =	ssyncset.done $0x0  }
0x1b: {  	[sflag:s8] =	ssyncadd.s32 $0xFFFFF800  }
0x1c: {  	[tilespmem:s9], [sflag:$0x1] =	stream.indirect.gather [hbm4b:s3+s9], $0x20, s2, s9, $0xb8;
	[tilespmem:$0x11440] =	vst v63  }
0x1d: {  	_ =	swait.ge [sflag:s10], $0x10000  }
0x1e: {  	[sflag:s10] =	ssyncset.done $0x0  }
0x1f: {  	[sflag:s10] =	ssyncadd.s32 $0xFFFF0000  }
0x20: {  	[hbm4b:s5+s2] =	stream.linear.scatter [tilespmem:s9], [sflag:$0x2], $0x10000, $0x38;
	[tilespmem:$0x11440] =	vst v63  }
0x21: {  	_ =	swait.ge [sflag:s8], $0x10000  }
0x22: {  	[sflag:s8] =	ssyncset.done $0x0  }
0x23: {  	[sflag:s8] =	ssyncadd.s32 $0xFFFF0000  }
0x24: {  	[tilespmem:$0x10800] =	vst v0  }
0x25: {  	[tilespmem:$0x10810] =	vst v0  }
0x26: {  	[tilespmem:$0x10820] =	vst v0  }
0x27: {  	[tilespmem:$0x10830] =	vst v0  }
0x28: {  	[tilespmem:$0x10840] =	vst v0  }
0x29: {  	[tilespmem:$0x10850] =	vst v0  }
0x2a: {  	[tilespmem:$0x10860] =	vst v0  }
0x2b: {  	[tilespmem:$0x10870] =	vst v0  }
0x2c: {  	[tilespmem:$0x10880] =	vst v0  }
0x2d: {  	[tilespmem:$0x10890] =	vst v0  }
0x2e: {  	[tilespmem:$0x108A0] =	vst v0  }
0x2f: {  	[tilespmem:$0x108B0] =	vst v0  }
0x30: {  	[tilespmem:$0x108C0] =	vst v0  }
0x31: {  	[tilespmem:$0x108D0] =	vst v0  }
0x32: {  	[tilespmem:$0x108E0] =	vst v0  }
0x33: {  	[tilespmem:$0x108F0] =	vst v0  }
0x34: {  	[tilespmem:$0x10900] =	vst v0  }
0x35: {  	[tilespmem:$0x10910] =	vst v0  }
0x36: {  	[tilespmem:$0x10920] =	vst v0  }
0x37: {  	[tilespmem:$0x10930] =	vst v0  }
0x38: {  	[tilespmem:$0x10940] =	vst v0  }
0x39: {  	[tilespmem:$0x10950] =	vst v0  }
0x3a: {  	[tilespmem:$0x10960] =	vst v0  }
0x3b: {  	[tilespmem:$0x10970] =	vst v0  }
0x3c: {  	[tilespmem:$0x10980] =	vst v0  }
0x3d: {  	[tilespmem:$0x10990] =	vst v0  }
0x3e: {  	[tilespmem:$0x109A0] =	vst v0  }
0x3f: {  	[tilespmem:$0x109B0] =	vst v0  }
0x40: {  	[tilespmem:$0x109C0] =	vst v0  }
0x41: {  	[tilespmem:$0x109D0] =	vst v0  }
0x42: {  	[tilespmem:$0x109E0] =	vst v0  }
0x43: {  	[tilespmem:$0x109F0] =	vst v0  }
0x44: {  	[tilespmem:$0x10A00] =	vst v0  }
0x45: {  	[tilespmem:$0x10A10] =	vst v0  }
0x46: {  	[tilespmem:$0x10A20] =	vst v0  }
0x47: {  	[tilespmem:$0x10A30] =	vst v0  }
0x48: {  	[tilespmem:$0x10A40] =	vst v0  }
0x49: {  	[tilespmem:$0x10A50] =	vst v0  }
0x4a: {  	[tilespmem:$0x10A60] =	vst v0  }
0x4b: {  	[tilespmem:$0x10A70] =	vst v0  }
0x4c: {  	[tilespmem:$0x10A80] =	vst v0  }
0x4d: {  	[tilespmem:$0x10A90] =	vst v0  }
0x4e: {  	[tilespmem:$0x10AA0] =	vst v0  }
0x4f: {  	[tilespmem:$0x10AB0] =	vst v0  }
0x50: {  	[tilespmem:$0x10AC0] =	vst v0  }
0x51: {  	[tilespmem:$0x10AD0] =	vst v0  }
0x52: {  	[tilespmem:$0x10AE0] =	vst v0  }
0x53: {  	[tilespmem:$0x10AF0] =	vst v0  }
0x54: {  	[tilespmem:$0x10B00] =	vst v0  }
0x55: {  	[tilespmem:$0x10B10] =	vst v0  }
0x56: {  	[tilespmem:$0x10B20] =	vst v0  }
0x57: {  	[tilespmem:$0x10B30] =	vst v0  }
0x58: {  	[tilespmem:$0x10B40] =	vst v0  }
0x59: {  	[tilespmem:$0x10B50] =	vst v0  }
0x5a: {  	[tilespmem:$0x10B60] =	vst v0  }
0x5b: {  	[tilespmem:$0x10B70] =	vst v0  }
0x5c: {  	[tilespmem:$0x10B80] =	vst v0  }
0x5d: {  	[tilespmem:$0x10B90] =	vst v0  }
0x5e: {  	[tilespmem:$0x10BA0] =	vst v0  }
0x5f: {  	[tilespmem:$0x10BB0] =	vst v0  }
0x60: {  	[tilespmem:$0x10BC0] =	vst v0  }
0x61: {  	[tilespmem:$0x10BD0] =	vst v0  }
0x62: {  	[tilespmem:$0x10BE0] =	vst v0  }
0x63: {  	[tilespmem:$0x10BF0] =	vst v0  }
0x64: {  	[tilespmem:$0x10C00] =	vst v0  }
0x65: {  	[tilespmem:$0x10C10] =	vst v0  }
0x66: {  	[tilespmem:$0x10C20] =	vst v0  }
0x67: {  	[tilespmem:$0x10C30] =	vst v0  }
0x68: {  	[tilespmem:$0x10C40] =	vst v0  }
0x69: {  	[tilespmem:$0x10C50] =	vst v0  }
0x6a: {  	[tilespmem:$0x10C60] =	vst v0  }
0x6b: {  	[tilespmem:$0x10C70] =	vst v0  }
0x6c: {  	[tilespmem:$0x10C80] =	vst v0  }
0x6d: {  	[tilespmem:$0x10C90] =	vst v0  }
0x6e: {  	[tilespmem:$0x10CA0] =	vst v0  }
0x6f: {  	[tilespmem:$0x10CB0] =	vst v0  }
0x70: {  	[tilespmem:$0x10CC0] =	vst v0  }
0x71: {  	[tilespmem:$0x10CD0] =	vst v0  }
0x72: {  	[tilespmem:$0x10CE0] =	vst v0  }
0x73: {  	[tilespmem:$0x10CF0] =	vst v0  }
0x74: {  	[tilespmem:$0x10D00] =	vst v0  }
0x75: {  	[tilespmem:$0x10D10] =	vst v0  }
0x76: {  	[tilespmem:$0x10D20] =	vst v0  }
0x77: {  	[tilespmem:$0x10D30] =	vst v0  }
0x78: {  	[tilespmem:$0x10D40] =	vst v0  }
0x79: {  	[tilespmem:$0x10D50] =	vst v0  }
0x7a: {  	[tilespmem:$0x10D60] =	vst v0  }
0x7b: {  	[tilespmem:$0x10D70] =	vst v0  }
0x7c: {  	[tilespmem:$0x10D80] =	vst v0  }
0x7d: {  	[tilespmem:$0x10D90] =	vst v0  }
0x7e: {  	[tilespmem:$0x10DA0] =	vst v0  }
0x7f: {  	[tilespmem:$0x10DB0] =	vst v0  }
0x80: {  	[tilespmem:$0x10DC0] =	vst v0  }
0x81: {  	[tilespmem:$0x10DD0] =	vst v0  }
0x82: {  	[tilespmem:$0x10DE0] =	vst v0  }
0x83: {  	[tilespmem:$0x10DF0] =	vst v0  }
0x84: {  	[tilespmem:$0x10E00] =	vst v0  }
0x85: {  	[tilespmem:$0x10E10] =	vst v0  }
0x86: {  	[tilespmem:$0x10E20] =	vst v0  }
0x87: {  	[tilespmem:$0x10E30] =	vst v0  }
0x88: {  	[tilespmem:$0x10E40] =	vst v0  }
0x89: {  	[tilespmem:$0x10E50] =	vst v0  }
0x8a: {  	[tilespmem:$0x10E60] =	vst v0  }
0x8b: {  	[tilespmem:$0x10E70] =	vst v0  }
0x8c: {  	[tilespmem:$0x10E80] =	vst v0  }
0x8d: {  	[tilespmem:$0x10E90] =	vst v0  }
0x8e: {  	[tilespmem:$0x10EA0] =	vst v0  }
0x8f: {  	[tilespmem:$0x10EB0] =	vst v0  }
0x90: {  	[tilespmem:$0x10EC0] =	vst v0  }
0x91: {  	[tilespmem:$0x10ED0] =	vst v0  }
0x92: {  	[tilespmem:$0x10EE0] =	vst v0  }
0x93: {  	[tilespmem:$0x10EF0] =	vst v0  }
0x94: {  	[tilespmem:$0x10F00] =	vst v0  }
0x95: {  	[tilespmem:$0x10F10] =	vst v0  }
0x96: {  	[tilespmem:$0x10F20] =	vst v0  }
0x97: {  	[tilespmem:$0x10F30] =	vst v0  }
0x98: {  	[tilespmem:$0x10F40] =	vst v0  }
0x99: {  	[tilespmem:$0x10F50] =	vst v0  }
0x9a: {  	[tilespmem:$0x10F60] =	vst v0  }
0x9b: {  	[tilespmem:$0x10F70] =	vst v0  }
0x9c: {  	[tilespmem:$0x10F80] =	vst v0  }
0x9d: {  	[tilespmem:$0x10F90] =	vst v0  }
0x9e: {  	[tilespmem:$0x10FA0] =	vst v0  }
.Ltmp2:
0x9f: {  	[tilespmem:$0x10FB0] =	vst v0;
	(pc) =	sbr.rel @p0 .LBB2_3-.Ltmp2, $4  }
0xa0: {  	[tilespmem:$0x10FC0] =	vst v0  }
0xa1: {  	[tilespmem:$0x10FD0] =	vst v0  }
0xa2: {  	[tilespmem:$0x10FE0] =	vst v0  }
0xa3: {  	[tilespmem:$0x10FF0] =	vst v0  }
0xa4: {  	[tilespmem:$0x11000] =	vst v1  }
0xa5: {  	[tilespmem:$0x11010] =	vst v1  }
0xa6: {  	[tilespmem:$0x11020] =	vst v1  }
0xa7: {  	[tilespmem:$0x11030] =	vst v1  }
0xa8: {  	[tilespmem:$0x11040] =	vst v1  }
0xa9: {  	[tilespmem:$0x11050] =	vst v1  }
0xaa: {  	[tilespmem:$0x11060] =	vst v1  }
0xab: {  	[tilespmem:$0x11070] =	vst v1  }
0xac: {  	[tilespmem:$0x11080] =	vst v1  }
0xad: {  	[tilespmem:$0x11090] =	vst v1  }
0xae: {  	[tilespmem:$0x110A0] =	vst v1  }
0xaf: {  	[tilespmem:$0x110B0] =	vst v1  }
0xb0: {  	[tilespmem:$0x110C0] =	vst v1  }
0xb1: {  	[tilespmem:$0x110D0] =	vst v1  }
0xb2: {  	[tilespmem:$0x110E0] =	vst v1  }
0xb3: {  	[tilespmem:$0x110F0] =	vst v1  }
0xb4: {  	[tilespmem:$0x11100] =	vst v1  }
0xb5: {  	[tilespmem:$0x11110] =	vst v1  }
0xb6: {  	[tilespmem:$0x11120] =	vst v1  }
0xb7: {  	[tilespmem:$0x11130] =	vst v1  }
0xb8: {  	[tilespmem:$0x11140] =	vst v1  }
0xb9: {  	[tilespmem:$0x11150] =	vst v1  }
0xba: {  	[tilespmem:$0x11160] =	vst v1  }
0xbb: {  	[tilespmem:$0x11170] =	vst v1  }
0xbc: {  	[tilespmem:$0x11180] =	vst v1  }
0xbd: {  	[tilespmem:$0x11190] =	vst v1  }
0xbe: {  	[tilespmem:$0x111A0] =	vst v1  }
0xbf: {  	[tilespmem:$0x111B0] =	vst v1  }
0xc0: {  	[tilespmem:$0x111C0] =	vst v1  }
0xc1: {  	[tilespmem:$0x111D0] =	vst v1  }
0xc2: {  	[tilespmem:$0x111E0] =	vst v1  }
0xc3: {  	[tilespmem:$0x111F0] =	vst v1  }
0xc4: {  	[tilespmem:$0x11200] =	vst v1  }
0xc5: {  	[tilespmem:$0x11210] =	vst v1  }
0xc6: {  	[tilespmem:$0x11220] =	vst v1  }
0xc7: {  	[tilespmem:$0x11230] =	vst v1  }
0xc8: {  	[tilespmem:$0x11240] =	vst v1  }
0xc9: {  	[tilespmem:$0x11250] =	vst v1  }
0xca: {  	[tilespmem:$0x11260] =	vst v1  }
0xcb: {  	[tilespmem:$0x11270] =	vst v1  }
0xcc: {  	[tilespmem:$0x11280] =	vst v1  }
0xcd: {  	[tilespmem:$0x11290] =	vst v1  }
0xce: {  	[tilespmem:$0x112A0] =	vst v1  }
0xcf: {  	[tilespmem:$0x112B0] =	vst v1  }
0xd0: {  	[tilespmem:$0x112C0] =	vst v1  }
0xd1: {  	[tilespmem:$0x112D0] =	vst v1  }
0xd2: {  	[tilespmem:$0x112E0] =	vst v1  }
0xd3: {  	[tilespmem:$0x112F0] =	vst v1  }
0xd4: {  	[tilespmem:$0x11300] =	vst v1  }
0xd5: {  	[tilespmem:$0x11310] =	vst v1  }
0xd6: {  	[tilespmem:$0x11320] =	vst v1  }
0xd7: {  	[tilespmem:$0x11330] =	vst v1  }
0xd8: {  	[tilespmem:$0x11340] =	vst v1  }
0xd9: {  	[tilespmem:$0x11350] =	vst v1  }
0xda: {  	[tilespmem:$0x11360] =	vst v1  }
0xdb: {  	[tilespmem:$0x11370] =	vst v1  }
0xdc: {  	[tilespmem:$0x11380] =	vst v1  }
0xdd: {  	[tilespmem:$0x11390] =	vst v1  }
0xde: {  	[tilespmem:$0x113A0] =	vst v1  }
0xdf: {  	[tilespmem:$0x113B0] =	vst v1  }
0xe0: {  	[tilespmem:$0x113C0] =	vst v1  }
0xe1: {  	[tilespmem:$0x113D0] =	vst v1  }
0xe2: {  	[tilespmem:$0x113E0] =	vst v1  }
0xe3: {  	[tilespmem:$0x113F0] =	vst v1  }
0xe4: {  	[spmem:s1] =	stream.linear.scatter [tilespmem:s11], [sflag:$0x2], $0x400, $0x38;
	[tilespmem:$0x11440] =	vst v63  }
0xe5: {  	_ =	swait.ge [sflag:s8], $0x400  }
0xe6: {  	[sflag:s8] =	ssyncset.done $0x0  }
0xe7: {  	[sflag:s8] =	ssyncadd.s32 $0xFFFFFC00  }
0xe8: {  	[bflag:$0x0] =	sbarrier.arrive $0xFFFF  }
0xe9: {  	[spmem:s1] =	stream.indirect.scatter.add.f32 [tilespmem:s12], [sflag:$0x2], $0x1, s2, s9, $0xb8;
	[tilespmem:$0x11440] =	vst v63  }
0xea: {  	_ =	swait.ge [sflag:s8], $0x800  }
0xeb: {  	[sflag:s8] =	ssyncset.done $0x0  }
0xec: {  	[sflag:s8] =	ssyncadd.s32 $0xFFFFF800  }
0xed: {  	[bflag:$0x0] =	sbarrier.arrive $0xFFFF  }
0xee: {  	[tilespmem:s11], [sflag:$0x2] =	stream.linear.gather [spmem:s1], $0x400, $0x38;
	[tilespmem:$0x11440] =	vst v63  }
0xef: {  	_ =	swait.ge [sflag:s8], $0x400  }
0xf0: {  	[sflag:s8] =	ssyncset.done $0x0  }
.Ltmp3:
0xf1: {  	[sflag:s8] =	ssyncadd.s32 $0xFFFFFC00;
	(pc) =	sbr.rel .LBB2_4-.Ltmp3, $4  }
0xf2: {  	[hbm4b:s6+s2] =	stream.linear.scatter [tilespmem:s11], [sflag:$0x2], $0x400, $0x38;
	[tilespmem:$0x11440] =	vst v63  }
0xf3: {  	_ =	swait.ge [sflag:s8], $0x400  }
0xf4: {  	[sflag:s8] =	ssyncset.done $0x0  }
0xf5: {  	[sflag:s8] =	ssyncadd.s32 $0xFFFFFC00  }
.LBB2_5:
0xf6: {  	_ =	sfence.sel $0x180000  }
0xf7: {  	[bflag:$0x0] =	sbarrier.arrive $0xFFFF  }
0xf8: {  	_ =	strace $0x90000047  }
0xf9: {  	s0 =	sadd.s32 @!p0 $0x100000, s0;
	[bflag:$0x2] =	sbarrier.arrive $0xFFFF  }
0xfa: {  	[sflag:s0] =	ssyncadd.tile.s32 @!p0 $0x1;
	_ =	shalt  }
.Lfunc_end2:
_tile_overlayer_lowered:
.L_overlay_start_2:
0xfb: {  	(tag) =	ssettag $0x2  }
0xfc: {  	s0 =	rddreg [dreg:$0x0];
	s2 =	stileid.u32  }
0xfd: {  	s1 =	rddreg [dreg:$0x1];
	p0 =	sne.s32 s2, $0x0  }
0xfe: {  	s3 =	rddreg [dreg:$0x2];
	[bflag:$0x3] =	sbarrier.arrive $0xFFFF;
	s2 =	simm.s32 @!p0 $0x1C02  }
0xff: {  	[timem:s3], [sflag:s2] =	dma.local @!p0 [hbm:s0], s1  }
0x100: {  	s0 =	simm.s32 @!p0 $0x2  }
0x101: {  	_ =	swait.ge @!p0 [sflag:s0], s1  }
0x102: {  	s1 =	ssub.s32 @!p0 $0x0, s1;
	[sflag:s0] =	ssyncset.done @!p0 $0x0  }
0x103: {  	[sflag:s0] =	ssyncadd.s32 @!p0 s1  }
0x104: {  	[bflag:$0x3] =	sbarrier.arrive $0xFFFF  }
0x105: {  	_ =	shalt  }

</sc_bundles>
